<compile_context>
chip_gen: v7x
topology: tpu7x:2x2x1
jax: 0.10.2.dev20260603
libtpu: 0.0.44.dev20260713+nightly
codegen_flags: <defaults>
</compile_context>

<pallas_src>
import jax
import jax.numpy as jnp
from jax import lax
from jax.experimental import pallas as pl
from jax.experimental.pallas import tpu as pltpu
from jax.experimental.pallas import tpu_sc as plsc

_BIT = 512
_SPIKE = 7.0

_ROWS = 384
_BLOCK = 24
_STEPS = _ROWS // _BLOCK
_M = 224
_NCHUNK = _M // 16


def _quant16(v):
    kf = jnp.clip(v / _SPIKE + 0.5, 0.0, float(_BIT - 1))
    k0 = kf.astype(jnp.int32)
    km = jnp.maximum(k0 - 1, 0)
    kp = jnp.minimum(k0 + 1, _BIT - 1)

    def dist(k):
        return jnp.abs(v - k.astype(jnp.float32) * _SPIKE)

    dm = dist(km)
    d0 = dist(k0)
    dp = dist(kp)
    best = km
    bd = dm
    t0 = d0 < bd
    best = jnp.where(t0, k0, best)
    bd = jnp.where(t0, d0, bd)
    tp = dp < bd
    best = jnp.where(tp, kp, best)
    return best.astype(jnp.float32) * _SPIKE


def _scalar_reduce(vec, combine):
    acc = vec[0]
    for i in range(1, 16):
        acc = combine(acc, vec[i])
    return acc


def _sc_quant_body(y_hbm, vals_hbm, ybuf, valsbuf):
    wid = lax.axis_index("s") * 2 + lax.axis_index("c")

    @pl.when(wid == 0)
    def _():
        pltpu.sync_copy(y_hbm, ybuf)
        chunks = [ybuf[pl.ds(16 * i, 16)] for i in range(_NCHUNK)]
        mn = chunks[0]
        mx = chunks[0]
        for c in chunks[1:]:
            mn = jnp.minimum(mn, c)
            mx = jnp.maximum(mx, c)
        ymin = _scalar_reduce(mn, jnp.minimum)
        ymax = _scalar_reduce(mx, jnp.maximum)
        rng = ymax - ymin
        for i in range(_NCHUNK):
            v = chunks[i] / rng * _SPIKE * float(_BIT)
            valsbuf[pl.ds(16 * i, 16)] = _quant16(v)
        pltpu.sync_copy(valsbuf, vals_hbm)


def _sc_quant(y):
    fn = pl.kernel(
        _sc_quant_body,
        out_type=jax.ShapeDtypeStruct((_M,), jnp.float32),
        mesh=plsc.VectorSubcoreMesh(core_axis_name="c", subcore_axis_name="s"),
        scratch_types=[
            pltpu.VMEM((_M,), jnp.float32),
            pltpu.VMEM((_M,), jnp.float32),
        ],
    )
    return fn(y)


def _minmax_body(x_ref, mm_ref):
    j = pl.program_id(0)
    bmin = jnp.min(x_ref[...])
    bmax = jnp.max(x_ref[...])

    @pl.when(j == 0)
    def _init():
        mm_ref[0] = bmin
        mm_ref[1] = bmax

    @pl.when(j > 0)
    def _acc():
        mm_ref[0] = jnp.minimum(mm_ref[0], bmin)
        mm_ref[1] = jnp.maximum(mm_ref[1], bmax)


def _bcast_body(vals_in_ref, mm_ref, o_ref, vals_ref):
    j = pl.program_id(0)

    @pl.when(j == 0)
    def _mask():
        n = (mm_ref[1] - mm_ref[0]).astype(jnp.int32) + 1
        row = jax.lax.broadcasted_iota(jnp.int32, (_M, 1), 0)
        vals_ref[...] = jnp.where(row < n, vals_in_ref[...], 0.0)

    o_ref[...] = jnp.broadcast_to(vals_ref[...][None], o_ref.shape)


def kernel(x, y):
    vals = _sc_quant(y)
    x3 = x.reshape(_ROWS, 224, 224)
    mm = pl.pallas_call(
        _minmax_body,
        grid=(_STEPS,),
        in_specs=[pl.BlockSpec((_BLOCK, 224, 224), lambda j: (j, 0, 0))],
        out_specs=pl.BlockSpec(memory_space=pltpu.SMEM),
        out_shape=jax.ShapeDtypeStruct((2,), jnp.float32),
    )(x3)
    out3 = pl.pallas_call(
        _bcast_body,
        grid=(_STEPS,),
        in_specs=[
            pl.BlockSpec((_M, 1), lambda j: (0, 0)),
            pl.BlockSpec(memory_space=pltpu.SMEM),
        ],
        out_specs=pl.BlockSpec((_BLOCK, 224, 224), lambda j: (j, 0, 0)),
        out_shape=jax.ShapeDtypeStruct((_ROWS, 224, 224), jnp.float32),
        scratch_shapes=[pltpu.VMEM((_M, 1), jnp.float32)],
    )(vals.reshape(_M, 1), mm)
    return out3.reshape(x.shape)

# --- scband reference (transcript-rebuilt; emitter-appended) ---
"""Pipeline reference for scband-group-spiking-89678917141319 (READ-ONLY COPY).

The authoritative reference and input builder live on the scoring server;
editing this copy changes nothing except your own understanding.
"""

import jax, jax.numpy as jnp
import numpy as np

BIT = 512
SPIKE = 7


def setup_inputs(seed: int = 0) -> dict:
    key = jax.random.key(seed)
    k1, k2 = jax.random.split(key)
    # x: float tensor whose integer value range drives the loop count (0..223)
    x = jax.random.randint(k1, (4, 96, 224, 224), 0, 224).astype(jnp.float32)
    # y: per-slice signal, one scalar per spatial index along dim 2
    y = jax.random.normal(k2, (224,), dtype=jnp.float32)
    return {"x": x, "y": y}


def reference(x, y):
    spike = 7
    bit = BIT
    # level = arange(0, bit) * spike  (codebook of quantization levels)
    level = jnp.arange(0, bit, dtype=jnp.float32) * spike
    # normalize y into the level range
    y = y / (jnp.max(y) - jnp.min(y)) * spike * bit
    # loop count derived from the value range of x (traced; bounded by y.shape[0])
    n = (jnp.max(x) - jnp.min(x)).astype(jnp.int32) + 1
    out = jnp.zeros_like(x)
    # For each i in range(n): nearest-level lookup of y[i], added to out[:, :, i, :].
    # Vectorized over the full static length; indices >= n masked to zero,
    # identical math to slicing the first n entries.
    m = y.shape[0]
    dist = jnp.abs(y[:, None] * jnp.ones_like(level)[None, :] - level[None, :])
    idx = jnp.argmin(dist, axis=1)
    vals = level[idx]
    mask = jnp.arange(m) < n
    vals = jnp.where(mask, vals, jnp.zeros_like(vals))
    out = out + vals[None, None, :, None]
    return out

if __name__ == "__main__":
    import jax
    _d = setup_inputs()
    print(jax.jit(kernel)(*tuple(_d.values())))

</pallas_src>

<mosaic_0001>
#map = affine_map<(d0, d1) -> (0)>
module attributes {stable_mosaic.version = 14 : i64} {
  func.func @_sc_quant_body(%arg0: i32, %arg1: i32, %arg2: memref<224xf32, #tpu.memory_space<hbm>>, %arg3: memref<224xf32, #tpu.memory_space<hbm>>, %arg4: memref<224xf32, #tpu.memory_space<vmem>>, %arg5: memref<224xf32, #tpu.memory_space<vmem>>) attributes {dimension_semantics = [#tpu.dimension_semantics<core_parallel>, #tpu.dimension_semantics<subcore_parallel>], iteration_bounds = array<i64: 2, 16>, scalar_prefetch = 0 : i64, scratch_operands = 2 : i64, tpu.core_type = #tpu.core_type<sc_vector_subcore>, window_params = [{transform_indices = #map}, {transform_indices = #map}]} {
    %mul3A = arith.constant 2 : i32
    %mul3A_0 = arith.muli %arg1, %mul3A : i32
    %add3A = arith.addi %mul3A_0, %arg0 : i32
    %eq3A = arith.constant 0 : i32
    %eq3A_1 = arith.cmpi eq, %add3A, %eq3A : i32
    %convert_element_type3A = arith.extui %eq3A_1 : i1 to i32
    %cond3A = arith.constant 0 : i32
    %cond3A_2 = arith.cmpi ne, %convert_element_type3A, %cond3A : i32
    scf.if %cond3A_2 {
      "tpu.region"() ({
        %run_scoped3A = tpu.sem_alloc : memref<!tpu.dma_semaphore, #tpu.memory_space<semaphore_mem>>
        tpu.enqueue_dma source(%arg2 : memref<224xf32, #tpu.memory_space<hbm>>) target(%arg4 : memref<224xf32, #tpu.memory_space<vmem>>) target_semaphore(%run_scoped3A : memref<!tpu.dma_semaphore, #tpu.memory_space<semaphore_mem>>)
        tpu.wait_dma2 semaphore(%run_scoped3A : memref<!tpu.dma_semaphore, #tpu.memory_space<semaphore_mem>>) src(%arg2 : memref<224xf32, #tpu.memory_space<hbm>>) dst(%arg4 : memref<224xf32, #tpu.memory_space<vmem>>)
        tpu.yield
      }) : () -> ()
      %get3A = arith.constant 0 : index
      %get3A_3 = tpu.vector_load %arg4[%get3A] {strides = array<i32>} : memref<224xf32, #tpu.memory_space<vmem>>, vector<16xf32>,
      %get3A_4 = vector.shape_cast %get3A_3 : vector<16xf32> to vector<16xf32>
      %get3A_5 = arith.constant 16 : index
      %get3A_6 = tpu.vector_load %arg4[%get3A_5] {strides = array<i32>} : memref<224xf32, #tpu.memory_space<vmem>>, vector<16xf32>,
      %get3A_7 = vector.shape_cast %get3A_6 : vector<16xf32> to vector<16xf32>
      %get3A_8 = arith.constant 32 : index
      %get3A_9 = tpu.vector_load %arg4[%get3A_8] {strides = array<i32>} : memref<224xf32, #tpu.memory_space<vmem>>, vector<16xf32>,
      %get3A_10 = vector.shape_cast %get3A_9 : vector<16xf32> to vector<16xf32>
      %get3A_11 = arith.constant 48 : index
      %get3A_12 = tpu.vector_load %arg4[%get3A_11] {strides = array<i32>} : memref<224xf32, #tpu.memory_space<vmem>>, vector<16xf32>,
      %get3A_13 = vector.shape_cast %get3A_12 : vector<16xf32> to vector<16xf32>
      %get3A_14 = arith.constant 64 : index
      %get3A_15 = tpu.vector_load %arg4[%get3A_14] {strides = array<i32>} : memref<224xf32, #tpu.memory_space<vmem>>, vector<16xf32>,
      %get3A_16 = vector.shape_cast %get3A_15 : vector<16xf32> to vector<16xf32>
      %get3A_17 = arith.constant 80 : index
      %get3A_18 = tpu.vector_load %arg4[%get3A_17] {strides = array<i32>} : memref<224xf32, #tpu.memory_space<vmem>>, vector<16xf32>,
      %get3A_19 = vector.shape_cast %get3A_18 : vector<16xf32> to vector<16xf32>
      %get3A_20 = arith.constant 96 : index
      %get3A_21 = tpu.vector_load %arg4[%get3A_20] {strides = array<i32>} : memref<224xf32, #tpu.memory_space<vmem>>, vector<16xf32>,
      %get3A_22 = vector.shape_cast %get3A_21 : vector<16xf32> to vector<16xf32>
      %get3A_23 = arith.constant 112 : index
      %get3A_24 = tpu.vector_load %arg4[%get3A_23] {strides = array<i32>} : memref<224xf32, #tpu.memory_space<vmem>>, vector<16xf32>,
      %get3A_25 = vector.shape_cast %get3A_24 : vector<16xf32> to vector<16xf32>
      %get3A_26 = arith.constant 128 : index
      %get3A_27 = tpu.vector_load %arg4[%get3A_26] {strides = array<i32>} : memref<224xf32, #tpu.memory_space<vmem>>, vector<16xf32>,
      %get3A_28 = vector.shape_cast %get3A_27 : vector<16xf32> to vector<16xf32>
      %get3A_29 = arith.constant 144 : index
      %get3A_30 = tpu.vector_load %arg4[%get3A_29] {strides = array<i32>} : memref<224xf32, #tpu.memory_space<vmem>>, vector<16xf32>,
      %get3A_31 = vector.shape_cast %get3A_30 : vector<16xf32> to vector<16xf32>
      %get3A_32 = arith.constant 160 : index
      %get3A_33 = tpu.vector_load %arg4[%get3A_32] {strides = array<i32>} : memref<224xf32, #tpu.memory_space<vmem>>, vector<16xf32>,
      %get3A_34 = vector.shape_cast %get3A_33 : vector<16xf32> to vector<16xf32>
      %get3A_35 = arith.constant 176 : index
      %get3A_36 = tpu.vector_load %arg4[%get3A_35] {strides = array<i32>} : memref<224xf32, #tpu.memory_space<vmem>>, vector<16xf32>,
      %get3A_37 = vector.shape_cast %get3A_36 : vector<16xf32> to vector<16xf32>
      %get3A_38 = arith.constant 192 : index
      %get3A_39 = tpu.vector_load %arg4[%get3A_38] {strides = array<i32>} : memref<224xf32, #tpu.memory_space<vmem>>, vector<16xf32>,
      %get3A_40 = vector.shape_cast %get3A_39 : vector<16xf32> to vector<16xf32>
      %get3A_41 = arith.constant 208 : index
      %get3A_42 = tpu.vector_load %arg4[%get3A_41] {strides = array<i32>} : memref<224xf32, #tpu.memory_space<vmem>>, vector<16xf32>,
      %get3A_43 = vector.shape_cast %get3A_42 : vector<16xf32> to vector<16xf32>
      %min3A = arith.minimumf %get3A_4, %get3A_7 : vector<16xf32>
      %max3A = arith.maximumf %get3A_4, %get3A_7 : vector<16xf32>
      %min3A_44 = arith.minimumf %min3A, %get3A_10 : vector<16xf32>
      %max3A_45 = arith.maximumf %max3A, %get3A_10 : vector<16xf32>
      %min3A_46 = arith.minimumf %min3A_44, %get3A_13 : vector<16xf32>
      %max3A_47 = arith.maximumf %max3A_45, %get3A_13 : vector<16xf32>
      %min3A_48 = arith.minimumf %min3A_46, %get3A_16 : vector<16xf32>
      %max3A_49 = arith.maximumf %max3A_47, %get3A_16 : vector<16xf32>
      %min3A_50 = arith.minimumf %min3A_48, %get3A_19 : vector<16xf32>
      %max3A_51 = arith.maximumf %max3A_49, %get3A_19 : vector<16xf32>
      %min3A_52 = arith.minimumf %min3A_50, %get3A_22 : vector<16xf32>
      %max3A_53 = arith.maximumf %max3A_51, %get3A_22 : vector<16xf32>
      %min3A_54 = arith.minimumf %min3A_52, %get3A_25 : vector<16xf32>
      %max3A_55 = arith.maximumf %max3A_53, %get3A_25 : vector<16xf32>
      %min3A_56 = arith.minimumf %min3A_54, %get3A_28 : vector<16xf32>
      %max3A_57 = arith.maximumf %max3A_55, %get3A_28 : vector<16xf32>
      %min3A_58 = arith.minimumf %min3A_56, %get3A_31 : vector<16xf32>
      %max3A_59 = arith.maximumf %max3A_57, %get3A_31 : vector<16xf32>
      %min3A_60 = arith.minimumf %min3A_58, %get3A_34 : vector<16xf32>
      %max3A_61 = arith.maximumf %max3A_59, %get3A_34 : vector<16xf32>
      %min3A_62 = arith.minimumf %min3A_60, %get3A_37 : vector<16xf32>
      %max3A_63 = arith.maximumf %max3A_61, %get3A_37 : vector<16xf32>
      %min3A_64 = arith.minimumf %min3A_62, %get3A_40 : vector<16xf32>
      %max3A_65 = arith.maximumf %max3A_63, %get3A_40 : vector<16xf32>
      %min3A_66 = arith.minimumf %min3A_64, %get3A_43 : vector<16xf32>
      %max3A_67 = arith.maximumf %max3A_65, %get3A_43 : vector<16xf32>
      %slice3A = vector.extract_strided_slice %min3A_66 {offsets = [0], sizes = [1], strides = [1]} : vector<16xf32> to vector<1xf32>
      %squeeze3A = vector.extract %slice3A[0] : f32 from vector<1xf32>
      %slice3A_68 = vector.extract_strided_slice %min3A_66 {offsets = [1], sizes = [1], strides = [1]} : vector<16xf32> to vector<1xf32>
      %squeeze3A_69 = vector.extract %slice3A_68[0] : f32 from vector<1xf32>
      %min3A_70 = arith.minimumf %squeeze3A, %squeeze3A_69 : f32
      %slice3A_71 = vector.extract_strided_slice %min3A_66 {offsets = [2], sizes = [1], strides = [1]} : vector<16xf32> to vector<1xf32>
      %squeeze3A_72 = vector.extract %slice3A_71[0] : f32 from vector<1xf32>
      %min3A_73 = arith.minimumf %min3A_70, %squeeze3A_72 : f32
      %slice3A_74 = vector.extract_strided_slice %min3A_66 {offsets = [3], sizes = [1], strides = [1]} : vector<16xf32> to vector<1xf32>
      %squeeze3A_75 = vector.extract %slice3A_74[0] : f32 from vector<1xf32>
      %min3A_76 = arith.minimumf %min3A_73, %squeeze3A_75 : f32
      %slice3A_77 = vector.extract_strided_slice %min3A_66 {offsets = [4], sizes = [1], strides = [1]} : vector<16xf32> to vector<1xf32>
      %squeeze3A_78 = vector.extract %slice3A_77[0] : f32 from vector<1xf32>
      %min3A_79 = arith.minimumf %min3A_76, %squeeze3A_78 : f32
      %slice3A_80 = vector.extract_strided_slice %min3A_66 {offsets = [5], sizes = [1], strides = [1]} : vector<16xf32> to vector<1xf32>
      %squeeze3A_81 = vector.extract %slice3A_80[0] : f32 from vector<1xf32>
      %min3A_82 = arith.minimumf %min3A_79, %squeeze3A_81 : f32
      %slice3A_83 = vector.extract_strided_slice %min3A_66 {offsets = [6], sizes = [1], strides = [1]} : vector<16xf32> to vector<1xf32>
      %squeeze3A_84 = vector.extract %slice3A_83[0] : f32 from vector<1xf32>
      %min3A_85 = arith.minimumf %min3A_82, %squeeze3A_84 : f32
      %slice3A_86 = vector.extract_strided_slice %min3A_66 {offsets = [7], sizes = [1], strides = [1]} : vector<16xf32> to vector<1xf32>
      %squeeze3A_87 = vector.extract %slice3A_86[0] : f32 from vector<1xf32>
      %min3A_88 = arith.minimumf %min3A_85, %squeeze3A_87 : f32
      %slice3A_89 = vector.extract_strided_slice %min3A_66 {offsets = [8], sizes = [1], strides = [1]} : vector<16xf32> to vector<1xf32>
      %squeeze3A_90 = vector.extract %slice3A_89[0] : f32 from vector<1xf32>
      %min3A_91 = arith.minimumf %min3A_88, %squeeze3A_90 : f32
      %slice3A_92 = vector.extract_strided_slice %min3A_66 {offsets = [9], sizes = [1], strides = [1]} : vector<16xf32> to vector<1xf32>
      %squeeze3A_93 = vector.extract %slice3A_92[0] : f32 from vector<1xf32>
      %min3A_94 = arith.minimumf %min3A_91, %squeeze3A_93 : f32
      %slice3A_95 = vector.extract_strided_slice %min3A_66 {offsets = [10], sizes = [1], strides = [1]} : vector<16xf32> to vector<1xf32>
      %squeeze3A_96 = vector.extract %slice3A_95[0] : f32 from vector<1xf32>
      %min3A_97 = arith.minimumf %min3A_94, %squeeze3A_96 : f32
      %slice3A_98 = vector.extract_strided_slice %min3A_66 {offsets = [11], sizes = [1], strides = [1]} : vector<16xf32> to vector<1xf32>
      %squeeze3A_99 = vector.extract %slice3A_98[0] : f32 from vector<1xf32>
      %min3A_100 = arith.minimumf %min3A_97, %squeeze3A_99 : f32
      %slice3A_101 = vector.extract_strided_slice %min3A_66 {offsets = [12], sizes = [1], strides = [1]} : vector<16xf32> to vector<1xf32>
      %squeeze3A_102 = vector.extract %slice3A_101[0] : f32 from vector<1xf32>
      %min3A_103 = arith.minimumf %min3A_100, %squeeze3A_102 : f32
      %slice3A_104 = vector.extract_strided_slice %min3A_66 {offsets = [13], sizes = [1], strides = [1]} : vector<16xf32> to vector<1xf32>
      %squeeze3A_105 = vector.extract %slice3A_104[0] : f32 from vector<1xf32>
      %min3A_106 = arith.minimumf %min3A_103, %squeeze3A_105 : f32
      %slice3A_107 = vector.extract_strided_slice %min3A_66 {offsets = [14], sizes = [1], strides = [1]} : vector<16xf32> to vector<1xf32>
      %squeeze3A_108 = vector.extract %slice3A_107[0] : f32 from vector<1xf32>
      %min3A_109 = arith.minimumf %min3A_106, %squeeze3A_108 : f32
      %slice3A_110 = vector.extract_strided_slice %min3A_66 {offsets = [15], sizes = [1], strides = [1]} : vector<16xf32> to vector<1xf32>
      %squeeze3A_111 = vector.extract %slice3A_110[0] : f32 from vector<1xf32>
      %min3A_112 = arith.minimumf %min3A_109, %squeeze3A_111 : f32
      %slice3A_113 = vector.extract_strided_slice %max3A_67 {offsets = [0], sizes = [1], strides = [1]} : vector<16xf32> to vector<1xf32>
      %squeeze3A_114 = vector.extract %slice3A_113[0] : f32 from vector<1xf32>
      %slice3A_115 = vector.extract_strided_slice %max3A_67 {offsets = [1], sizes = [1], strides = [1]} : vector<16xf32> to vector<1xf32>
      %squeeze3A_116 = vector.extract %slice3A_115[0] : f32 from vector<1xf32>
      %max3A_117 = arith.maximumf %squeeze3A_114, %squeeze3A_116 : f32
      %slice3A_118 = vector.extract_strided_slice %max3A_67 {offsets = [2], sizes = [1], strides = [1]} : vector<16xf32> to vector<1xf32>
      %squeeze3A_119 = vector.extract %slice3A_118[0] : f32 from vector<1xf32>
      %max3A_120 = arith.maximumf %max3A_117, %squeeze3A_119 : f32
      %slice3A_121 = vector.extract_strided_slice %max3A_67 {offsets = [3], sizes = [1], strides = [1]} : vector<16xf32> to vector<1xf32>
      %squeeze3A_122 = vector.extract %slice3A_121[0] : f32 from vector<1xf32>
      %max3A_123 = arith.maximumf %max3A_120, %squeeze3A_122 : f32
      %slice3A_124 = vector.extract_strided_slice %max3A_67 {offsets = [4], sizes = [1], strides = [1]} : vector<16xf32> to vector<1xf32>
      %squeeze3A_125 = vector.extract %slice3A_124[0] : f32 from vector<1xf32>
      %max3A_126 = arith.maximumf %max3A_123, %squeeze3A_125 : f32
      %slice3A_127 = vector.extract_strided_slice %max3A_67 {offsets = [5], sizes = [1], strides = [1]} : vector<16xf32> to vector<1xf32>
      %squeeze3A_128 = vector.extract %slice3A_127[0] : f32 from vector<1xf32>
      %max3A_129 = arith.maximumf %max3A_126, %squeeze3A_128 : f32
      %slice3A_130 = vector.extract_strided_slice %max3A_67 {offsets = [6], sizes = [1], strides = [1]} : vector<16xf32> to vector<1xf32>
      %squeeze3A_131 = vector.extract %slice3A_130[0] : f32 from vector<1xf32>
      %max3A_132 = arith.maximumf %max3A_129, %squeeze3A_131 : f32
      %slice3A_133 = vector.extract_strided_slice %max3A_67 {offsets = [7], sizes = [1], strides = [1]} : vector<16xf32> to vector<1xf32>
      %squeeze3A_134 = vector.extract %slice3A_133[0] : f32 from vector<1xf32>
      %max3A_135 = arith.maximumf %max3A_132, %squeeze3A_134 : f32
      %slice3A_136 = vector.extract_strided_slice %max3A_67 {offsets = [8], sizes = [1], strides = [1]} : vector<16xf32> to vector<1xf32>
      %squeeze3A_137 = vector.extract %slice3A_136[0] : f32 from vector<1xf32>
      %max3A_138 = arith.maximumf %max3A_135, %squeeze3A_137 : f32
      %slice3A_139 = vector.extract_strided_slice %max3A_67 {offsets = [9], sizes = [1], strides = [1]} : vector<16xf32> to vector<1xf32>
      %squeeze3A_140 = vector.extract %slice3A_139[0] : f32 from vector<1xf32>
      %max3A_141 = arith.maximumf %max3A_138, %squeeze3A_140 : f32
      %slice3A_142 = vector.extract_strided_slice %max3A_67 {offsets = [10], sizes = [1], strides = [1]} : vector<16xf32> to vector<1xf32>
      %squeeze3A_143 = vector.extract %slice3A_142[0] : f32 from vector<1xf32>
      %max3A_144 = arith.maximumf %max3A_141, %squeeze3A_143 : f32
      %slice3A_145 = vector.extract_strided_slice %max3A_67 {offsets = [11], sizes = [1], strides = [1]} : vector<16xf32> to vector<1xf32>
      %squeeze3A_146 = vector.extract %slice3A_145[0] : f32 from vector<1xf32>
      %max3A_147 = arith.maximumf %max3A_144, %squeeze3A_146 : f32
      %slice3A_148 = vector.extract_strided_slice %max3A_67 {offsets = [12], sizes = [1], strides = [1]} : vector<16xf32> to vector<1xf32>
      %squeeze3A_149 = vector.extract %slice3A_148[0] : f32 from vector<1xf32>
      %max3A_150 = arith.maximumf %max3A_147, %squeeze3A_149 : f32
      %slice3A_151 = vector.extract_strided_slice %max3A_67 {offsets = [13], sizes = [1], strides = [1]} : vector<16xf32> to vector<1xf32>
      %squeeze3A_152 = vector.extract %slice3A_151[0] : f32 from vector<1xf32>
      %max3A_153 = arith.maximumf %max3A_150, %squeeze3A_152 : f32
      %slice3A_154 = vector.extract_strided_slice %max3A_67 {offsets = [14], sizes = [1], strides = [1]} : vector<16xf32> to vector<1xf32>
      %squeeze3A_155 = vector.extract %slice3A_154[0] : f32 from vector<1xf32>
      %max3A_156 = arith.maximumf %max3A_153, %squeeze3A_155 : f32
      %slice3A_157 = vector.extract_strided_slice %max3A_67 {offsets = [15], sizes = [1], strides = [1]} : vector<16xf32> to vector<1xf32>
      %squeeze3A_158 = vector.extract %slice3A_157[0] : f32 from vector<1xf32>
      %max3A_159 = arith.maximumf %max3A_156, %squeeze3A_158 : f32
      %sub3A = arith.subf %max3A_159, %min3A_112 : f32
      %div3A = vector.broadcast %sub3A : f32 to vector<16xf32>
      %div3A_160 = arith.divf %get3A_4, %div3A : vector<16xf32>
      %mul3A_161 = arith.constant 7.000000e+00 : f32
      %mul3A_162 = vector.broadcast %mul3A_161 : f32 to vector<16xf32>
      %mul3A_163 = arith.mulf %div3A_160, %mul3A_162 : vector<16xf32>
      %mul3A_164 = arith.constant 5.120000e+02 : f32
      %mul3A_165 = vector.broadcast %mul3A_164 : f32 to vector<16xf32>
      %mul3A_166 = arith.mulf %mul3A_163, %mul3A_165 : vector<16xf32>
      %div3A_167 = arith.constant 7.000000e+00 : f32
      %div3A_168 = vector.broadcast %div3A_167 : f32 to vector<16xf32>
      %div3A_169 = arith.divf %mul3A_166, %div3A_168 : vector<16xf32>
      %add3A_170 = arith.constant 5.000000e-01 : f32
      %add3A_171 = vector.broadcast %add3A_170 : f32 to vector<16xf32>
      %add3A_172 = arith.addf %div3A_169, %add3A_171 : vector<16xf32>
      %jit3A = arith.constant 0.000000e+00 : f32
      %jit3A_173 = arith.constant 5.110000e+02 : f32
      %max3A_174 = vector.broadcast %jit3A : f32 to vector<16xf32>
      %max3A_175 = arith.maximumf %max3A_174, %add3A_172 : vector<16xf32>
      %min3A_176 = vector.broadcast %jit3A_173 : f32 to vector<16xf32>
      %min3A_177 = arith.minimumf %min3A_176, %max3A_175 : vector<16xf32>
      %convert_element_type3A_178 = arith.fptosi %min3A_177 : vector<16xf32> to vector<16xi32>
      %sub3A_179 = arith.constant 1 : i32
      %sub3A_180 = vector.broadcast %sub3A_179 : i32 to vector<16xi32>
      %sub3A_181 = arith.subi %convert_element_type3A_178, %sub3A_180 : vector<16xi32>
      %max3A_182 = arith.constant 0 : i32
      %max3A_183 = vector.broadcast %max3A_182 : i32 to vector<16xi32>
      %max3A_184 = arith.maxsi %sub3A_181, %max3A_183 : vector<16xi32>
      %add3A_185 = arith.constant 1 : i32
      %add3A_186 = vector.broadcast %add3A_185 : i32 to vector<16xi32>
      %add3A_187 = arith.addi %convert_element_type3A_178, %add3A_186 : vector<16xi32>
      %min3A_188 = arith.constant 511 : i32
      %min3A_189 = vector.broadcast %min3A_188 : i32 to vector<16xi32>
      %min3A_190 = arith.minsi %add3A_187, %min3A_189 : vector<16xi32>
      %convert_element_type3A_191 = arith.sitofp %max3A_184 : vector<16xi32> to vector<16xf32>
      %mul3A_192 = arith.constant 7.000000e+00 : f32
      %mul3A_193 = vector.broadcast %mul3A_192 : f32 to vector<16xf32>
      %mul3A_194 = arith.mulf %convert_element_type3A_191, %mul3A_193 : vector<16xf32>
      %sub3A_195 = arith.subf %mul3A_166, %mul3A_194 : vector<16xf32>
      %abs3A = math.absf %sub3A_195 : vector<16xf32>
      %convert_element_type3A_196 = arith.sitofp %convert_element_type3A_178 : vector<16xi32> to vector<16xf32>
      %mul3A_197 = arith.constant 7.000000e+00 : f32
      %mul3A_198 = vector.broadcast %mul3A_197 : f32 to vector<16xf32>
      %mul3A_199 = arith.mulf %convert_element_type3A_196, %mul3A_198 : vector<16xf32>
      %sub3A_200 = arith.subf %mul3A_166, %mul3A_199 : vector<16xf32>
      %abs3A_201 = math.absf %sub3A_200 : vector<16xf32>
      %convert_element_type3A_202 = arith.sitofp %min3A_190 : vector<16xi32> to vector<16xf32>
      %mul3A_203 = arith.constant 7.000000e+00 : f32
      %mul3A_204 = vector.broadcast %mul3A_203 : f32 to vector<16xf32>
      %mul3A_205 = arith.mulf %convert_element_type3A_202, %mul3A_204 : vector<16xf32>
      %sub3A_206 = arith.subf %mul3A_166, %mul3A_205 : vector<16xf32>
      %abs3A_207 = math.absf %sub3A_206 : vector<16xf32>
      %lt3A = arith.cmpf olt, %abs3A_201, %abs3A : vector<16xf32>
      %select_n3A = arith.select %lt3A, %convert_element_type3A_178, %max3A_184 : vector<16xi1>, vector<16xi32>
      %select_n3A_208 = arith.select %lt3A, %abs3A_201, %abs3A : vector<16xi1>, vector<16xf32>
      %lt3A_209 = arith.cmpf olt, %abs3A_207, %select_n3A_208 : vector<16xf32>
      %select_n3A_210 = arith.select %lt3A_209, %min3A_190, %select_n3A : vector<16xi1>, vector<16xi32>
      %convert_element_type3A_211 = arith.sitofp %select_n3A_210 : vector<16xi32> to vector<16xf32>
      %mul3A_212 = arith.constant 7.000000e+00 : f32
      %mul3A_213 = vector.broadcast %mul3A_212 : f32 to vector<16xf32>
      %mul3A_214 = arith.mulf %convert_element_type3A_211, %mul3A_213 : vector<16xf32>
      %swap3A = arith.constant 0 : index
      %swap3A_215 = tpu.vector_load %arg5[%swap3A] {strides = array<i32>} : memref<224xf32, #tpu.memory_space<vmem>>, vector<16xf32>,
      %swap3A_216 = vector.shape_cast %swap3A_215 : vector<16xf32> to vector<16xf32>
      %swap3A_217 = vector.shape_cast %mul3A_214 : vector<16xf32> to vector<16xf32>
      tpu.vector_store %arg5[%swap3A], %swap3A_217 {strides = array<i32>} : memref<224xf32, #tpu.memory_space<vmem>>, vector<16xf32>,
      %div3A_218 = vector.broadcast %sub3A : f32 to vector<16xf32>
      %div3A_219 = arith.divf %get3A_7, %div3A_218 : vector<16xf32>
      %mul3A_220 = arith.constant 7.000000e+00 : f32
      %mul3A_221 = vector.broadcast %mul3A_220 : f32 to vector<16xf32>
      %mul3A_222 = arith.mulf %div3A_219, %mul3A_221 : vector<16xf32>
      %mul3A_223 = arith.constant 5.120000e+02 : f32
      %mul3A_224 = vector.broadcast %mul3A_223 : f32 to vector<16xf32>
      %mul3A_225 = arith.mulf %mul3A_222, %mul3A_224 : vector<16xf32>
      %div3A_226 = arith.constant 7.000000e+00 : f32
      %div3A_227 = vector.broadcast %div3A_226 : f32 to vector<16xf32>
      %div3A_228 = arith.divf %mul3A_225, %div3A_227 : vector<16xf32>
      %add3A_229 = arith.constant 5.000000e-01 : f32
      %add3A_230 = vector.broadcast %add3A_229 : f32 to vector<16xf32>
      %add3A_231 = arith.addf %div3A_228, %add3A_230 : vector<16xf32>
      %jit3A_232 = arith.constant 0.000000e+00 : f32
      %jit3A_233 = arith.constant 5.110000e+02 : f32
      %max3A_234 = vector.broadcast %jit3A_232 : f32 to vector<16xf32>
      %max3A_235 = arith.maximumf %max3A_234, %add3A_231 : vector<16xf32>
      %min3A_236 = vector.broadcast %jit3A_233 : f32 to vector<16xf32>
      %min3A_237 = arith.minimumf %min3A_236, %max3A_235 : vector<16xf32>
      %convert_element_type3A_238 = arith.fptosi %min3A_237 : vector<16xf32> to vector<16xi32>
      %sub3A_239 = arith.constant 1 : i32
      %sub3A_240 = vector.broadcast %sub3A_239 : i32 to vector<16xi32>
      %sub3A_241 = arith.subi %convert_element_type3A_238, %sub3A_240 : vector<16xi32>
      %max3A_242 = arith.constant 0 : i32
      %max3A_243 = vector.broadcast %max3A_242 : i32 to vector<16xi32>
      %max3A_244 = arith.maxsi %sub3A_241, %max3A_243 : vector<16xi32>
      %add3A_245 = arith.constant 1 : i32
      %add3A_246 = vector.broadcast %add3A_245 : i32 to vector<16xi32>
      %add3A_247 = arith.addi %convert_element_type3A_238, %add3A_246 : vector<16xi32>
      %min3A_248 = arith.constant 511 : i32
      %min3A_249 = vector.broadcast %min3A_248 : i32 to vector<16xi32>
      %min3A_250 = arith.minsi %add3A_247, %min3A_249 : vector<16xi32>
      %convert_element_type3A_251 = arith.sitofp %max3A_244 : vector<16xi32> to vector<16xf32>
      %mul3A_252 = arith.constant 7.000000e+00 : f32
      %mul3A_253 = vector.broadcast %mul3A_252 : f32 to vector<16xf32>
      %mul3A_254 = arith.mulf %convert_element_type3A_251, %mul3A_253 : vector<16xf32>
      %sub3A_255 = arith.subf %mul3A_225, %mul3A_254 : vector<16xf32>
      %abs3A_256 = math.absf %sub3A_255 : vector<16xf32>
      %convert_element_type3A_257 = arith.sitofp %convert_element_type3A_238 : vector<16xi32> to vector<16xf32>
      %mul3A_258 = arith.constant 7.000000e+00 : f32
      %mul3A_259 = vector.broadcast %mul3A_258 : f32 to vector<16xf32>
      %mul3A_260 = arith.mulf %convert_element_type3A_257, %mul3A_259 : vector<16xf32>
      %sub3A_261 = arith.subf %mul3A_225, %mul3A_260 : vector<16xf32>
      %abs3A_262 = math.absf %sub3A_261 : vector<16xf32>
      %convert_element_type3A_263 = arith.sitofp %min3A_250 : vector<16xi32> to vector<16xf32>
      %mul3A_264 = arith.constant 7.000000e+00 : f32
      %mul3A_265 = vector.broadcast %mul3A_264 : f32 to vector<16xf32>
      %mul3A_266 = arith.mulf %convert_element_type3A_263, %mul3A_265 : vector<16xf32>
      %sub3A_267 = arith.subf %mul3A_225, %mul3A_266 : vector<16xf32>
      %abs3A_268 = math.absf %sub3A_267 : vector<16xf32>
      %lt3A_269 = arith.cmpf olt, %abs3A_262, %abs3A_256 : vector<16xf32>
      %select_n3A_270 = arith.select %lt3A_269, %convert_element_type3A_238, %max3A_244 : vector<16xi1>, vector<16xi32>
      %select_n3A_271 = arith.select %lt3A_269, %abs3A_262, %abs3A_256 : vector<16xi1>, vector<16xf32>
      %lt3A_272 = arith.cmpf olt, %abs3A_268, %select_n3A_271 : vector<16xf32>
      %select_n3A_273 = arith.select %lt3A_272, %min3A_250, %select_n3A_270 : vector<16xi1>, vector<16xi32>
      %convert_element_type3A_274 = arith.sitofp %select_n3A_273 : vector<16xi32> to vector<16xf32>
      %mul3A_275 = arith.constant 7.000000e+00 : f32
      %mul3A_276 = vector.broadcast %mul3A_275 : f32 to vector<16xf32>
      %mul3A_277 = arith.mulf %convert_element_type3A_274, %mul3A_276 : vector<16xf32>
      %swap3A_278 = arith.constant 16 : index
      %swap3A_279 = tpu.vector_load %arg5[%swap3A_278] {strides = array<i32>} : memref<224xf32, #tpu.memory_space<vmem>>, vector<16xf32>,
      %swap3A_280 = vector.shape_cast %swap3A_279 : vector<16xf32> to vector<16xf32>
      %swap3A_281 = vector.shape_cast %mul3A_277 : vector<16xf32> to vector<16xf32>
      tpu.vector_store %arg5[%swap3A_278], %swap3A_281 {strides = array<i32>} : memref<224xf32, #tpu.memory_space<vmem>>, vector<16xf32>,
      %div3A_282 = vector.broadcast %sub3A : f32 to vector<16xf32>
      %div3A_283 = arith.divf %get3A_10, %div3A_282 : vector<16xf32>
      %mul3A_284 = arith.constant 7.000000e+00 : f32
      %mul3A_285 = vector.broadcast %mul3A_284 : f32 to vector<16xf32>
      %mul3A_286 = arith.mulf %div3A_283, %mul3A_285 : vector<16xf32>
      %mul3A_287 = arith.constant 5.120000e+02 : f32
      %mul3A_288 = vector.broadcast %mul3A_287 : f32 to vector<16xf32>
      %mul3A_289 = arith.mulf %mul3A_286, %mul3A_288 : vector<16xf32>
      %div3A_290 = arith.constant 7.000000e+00 : f32
      %div3A_291 = vector.broadcast %div3A_290 : f32 to vector<16xf32>
      %div3A_292 = arith.divf %mul3A_289, %div3A_291 : vector<16xf32>
      %add3A_293 = arith.constant 5.000000e-01 : f32
      %add3A_294 = vector.broadcast %add3A_293 : f32 to vector<16xf32>
      %add3A_295 = arith.addf %div3A_292, %add3A_294 : vector<16xf32>
      %jit3A_296 = arith.constant 0.000000e+00 : f32
      %jit3A_297 = arith.constant 5.110000e+02 : f32
      %max3A_298 = vector.broadcast %jit3A_296 : f32 to vector<16xf32>
      %max3A_299 = arith.maximumf %max3A_298, %add3A_295 : vector<16xf32>
      %min3A_300 = vector.broadcast %jit3A_297 : f32 to vector<16xf32>
      %min3A_301 = arith.minimumf %min3A_300, %max3A_299 : vector<16xf32>
      %convert_element_type3A_302 = arith.fptosi %min3A_301 : vector<16xf32> to vector<16xi32>
      %sub3A_303 = arith.constant 1 : i32
      %sub3A_304 = vector.broadcast %sub3A_303 : i32 to vector<16xi32>
      %sub3A_305 = arith.subi %convert_element_type3A_302, %sub3A_304 : vector<16xi32>
      %max3A_306 = arith.constant 0 : i32
      %max3A_307 = vector.broadcast %max3A_306 : i32 to vector<16xi32>
      %max3A_308 = arith.maxsi %sub3A_305, %max3A_307 : vector<16xi32>
      %add3A_309 = arith.constant 1 : i32
      %add3A_310 = vector.broadcast %add3A_309 : i32 to vector<16xi32>
      %add3A_311 = arith.addi %convert_element_type3A_302, %add3A_310 : vector<16xi32>
      %min3A_312 = arith.constant 511 : i32
      %min3A_313 = vector.broadcast %min3A_312 : i32 to vector<16xi32>
      %min3A_314 = arith.minsi %add3A_311, %min3A_313 : vector<16xi32>
      %convert_element_type3A_315 = arith.sitofp %max3A_308 : vector<16xi32> to vector<16xf32>
      %mul3A_316 = arith.constant 7.000000e+00 : f32
      %mul3A_317 = vector.broadcast %mul3A_316 : f32 to vector<16xf32>
      %mul3A_318 = arith.mulf %convert_element_type3A_315, %mul3A_317 : vector<16xf32>
      %sub3A_319 = arith.subf %mul3A_289, %mul3A_318 : vector<16xf32>
      %abs3A_320 = math.absf %sub3A_319 : vector<16xf32>
      %convert_element_type3A_321 = arith.sitofp %convert_element_type3A_302 : vector<16xi32> to vector<16xf32>
      %mul3A_322 = arith.constant 7.000000e+00 : f32
      %mul3A_323 = vector.broadcast %mul3A_322 : f32 to vector<16xf32>
      %mul3A_324 = arith.mulf %convert_element_type3A_321, %mul3A_323 : vector<16xf32>
      %sub3A_325 = arith.subf %mul3A_289, %mul3A_324 : vector<16xf32>
      %abs3A_326 = math.absf %sub3A_325 : vector<16xf32>
      %convert_element_type3A_327 = arith.sitofp %min3A_314 : vector<16xi32> to vector<16xf32>
      %mul3A_328 = arith.constant 7.000000e+00 : f32
      %mul3A_329 = vector.broadcast %mul3A_328 : f32 to vector<16xf32>
      %mul3A_330 = arith.mulf %convert_element_type3A_327, %mul3A_329 : vector<16xf32>
      %sub3A_331 = arith.subf %mul3A_289, %mul3A_330 : vector<16xf32>
      %abs3A_332 = math.absf %sub3A_331 : vector<16xf32>
      %lt3A_333 = arith.cmpf olt, %abs3A_326, %abs3A_320 : vector<16xf32>
      %select_n3A_334 = arith.select %lt3A_333, %convert_element_type3A_302, %max3A_308 : vector<16xi1>, vector<16xi32>
      %select_n3A_335 = arith.select %lt3A_333, %abs3A_326, %abs3A_320 : vector<16xi1>, vector<16xf32>
      %lt3A_336 = arith.cmpf olt, %abs3A_332, %select_n3A_335 : vector<16xf32>
      %select_n3A_337 = arith.select %lt3A_336, %min3A_314, %select_n3A_334 : vector<16xi1>, vector<16xi32>
      %convert_element_type3A_338 = arith.sitofp %select_n3A_337 : vector<16xi32> to vector<16xf32>
      %mul3A_339 = arith.constant 7.000000e+00 : f32
      %mul3A_340 = vector.broadcast %mul3A_339 : f32 to vector<16xf32>
      %mul3A_341 = arith.mulf %convert_element_type3A_338, %mul3A_340 : vector<16xf32>
      %swap3A_342 = arith.constant 32 : index
      %swap3A_343 = tpu.vector_load %arg5[%swap3A_342] {strides = array<i32>} : memref<224xf32, #tpu.memory_space<vmem>>, vector<16xf32>,
      %swap3A_344 = vector.shape_cast %swap3A_343 : vector<16xf32> to vector<16xf32>
      %swap3A_345 = vector.shape_cast %mul3A_341 : vector<16xf32> to vector<16xf32>
      tpu.vector_store %arg5[%swap3A_342], %swap3A_345 {strides = array<i32>} : memref<224xf32, #tpu.memory_space<vmem>>, vector<16xf32>,
      %div3A_346 = vector.broadcast %sub3A : f32 to vector<16xf32>
      %div3A_347 = arith.divf %get3A_13, %div3A_346 : vector<16xf32>
      %mul3A_348 = arith.constant 7.000000e+00 : f32
      %mul3A_349 = vector.broadcast %mul3A_348 : f32 to vector<16xf32>
      %mul3A_350 = arith.mulf %div3A_347, %mul3A_349 : vector<16xf32>
      %mul3A_351 = arith.constant 5.120000e+02 : f32
      %mul3A_352 = vector.broadcast %mul3A_351 : f32 to vector<16xf32>
      %mul3A_353 = arith.mulf %mul3A_350, %mul3A_352 : vector<16xf32>
      %div3A_354 = arith.constant 7.000000e+00 : f32
      %div3A_355 = vector.broadcast %div3A_354 : f32 to vector<16xf32>
      %div3A_356 = arith.divf %mul3A_353, %div3A_355 : vector<16xf32>
      %add3A_357 = arith.constant 5.000000e-01 : f32
      %add3A_358 = vector.broadcast %add3A_357 : f32 to vector<16xf32>
      %add3A_359 = arith.addf %div3A_356, %add3A_358 : vector<16xf32>
      %jit3A_360 = arith.constant 0.000000e+00 : f32
      %jit3A_361 = arith.constant 5.110000e+02 : f32
      %max3A_362 = vector.broadcast %jit3A_360 : f32 to vector<16xf32>
      %max3A_363 = arith.maximumf %max3A_362, %add3A_359 : vector<16xf32>
      %min3A_364 = vector.broadcast %jit3A_361 : f32 to vector<16xf32>
      %min3A_365 = arith.minimumf %min3A_364, %max3A_363 : vector<16xf32>
      %convert_element_type3A_366 = arith.fptosi %min3A_365 : vector<16xf32> to vector<16xi32>
      %sub3A_367 = arith.constant 1 : i32
      %sub3A_368 = vector.broadcast %sub3A_367 : i32 to vector<16xi32>
      %sub3A_369 = arith.subi %convert_element_type3A_366, %sub3A_368 : vector<16xi32>
      %max3A_370 = arith.constant 0 : i32
      %max3A_371 = vector.broadcast %max3A_370 : i32 to vector<16xi32>
      %max3A_372 = arith.maxsi %sub3A_369, %max3A_371 : vector<16xi32>
      %add3A_373 = arith.constant 1 : i32
      %add3A_374 = vector.broadcast %add3A_373 : i32 to vector<16xi32>
      %add3A_375 = arith.addi %convert_element_type3A_366, %add3A_374 : vector<16xi32>
      %min3A_376 = arith.constant 511 : i32
      %min3A_377 = vector.broadcast %min3A_376 : i32 to vector<16xi32>
      %min3A_378 = arith.minsi %add3A_375, %min3A_377 : vector<16xi32>
      %convert_element_type3A_379 = arith.sitofp %max3A_372 : vector<16xi32> to vector<16xf32>
      %mul3A_380 = arith.constant 7.000000e+00 : f32
      %mul3A_381 = vector.broadcast %mul3A_380 : f32 to vector<16xf32>
      %mul3A_382 = arith.mulf %convert_element_type3A_379, %mul3A_381 : vector<16xf32>
      %sub3A_383 = arith.subf %mul3A_353, %mul3A_382 : vector<16xf32>
      %abs3A_384 = math.absf %sub3A_383 : vector<16xf32>
      %convert_element_type3A_385 = arith.sitofp %convert_element_type3A_366 : vector<16xi32> to vector<16xf32>
      %mul3A_386 = arith.constant 7.000000e+00 : f32
      %mul3A_387 = vector.broadcast %mul3A_386 : f32 to vector<16xf32>
      %mul3A_388 = arith.mulf %convert_element_type3A_385, %mul3A_387 : vector<16xf32>
      %sub3A_389 = arith.subf %mul3A_353, %mul3A_388 : vector<16xf32>
      %abs3A_390 = math.absf %sub3A_389 : vector<16xf32>
      %convert_element_type3A_391 = arith.sitofp %min3A_378 : vector<16xi32> to vector<16xf32>
      %mul3A_392 = arith.constant 7.000000e+00 : f32
      %mul3A_393 = vector.broadcast %mul3A_392 : f32 to vector<16xf32>
      %mul3A_394 = arith.mulf %convert_element_type3A_391, %mul3A_393 : vector<16xf32>
      %sub3A_395 = arith.subf %mul3A_353, %mul3A_394 : vector<16xf32>
      %abs3A_396 = math.absf %sub3A_395 : vector<16xf32>
      %lt3A_397 = arith.cmpf olt, %abs3A_390, %abs3A_384 : vector<16xf32>
      %select_n3A_398 = arith.select %lt3A_397, %convert_element_type3A_366, %max3A_372 : vector<16xi1>, vector<16xi32>
      %select_n3A_399 = arith.select %lt3A_397, %abs3A_390, %abs3A_384 : vector<16xi1>, vector<16xf32>
      %lt3A_400 = arith.cmpf olt, %abs3A_396, %select_n3A_399 : vector<16xf32>
      %select_n3A_401 = arith.select %lt3A_400, %min3A_378, %select_n3A_398 : vector<16xi1>, vector<16xi32>
      %convert_element_type3A_402 = arith.sitofp %select_n3A_401 : vector<16xi32> to vector<16xf32>
      %mul3A_403 = arith.constant 7.000000e+00 : f32
      %mul3A_404 = vector.broadcast %mul3A_403 : f32 to vector<16xf32>
      %mul3A_405 = arith.mulf %convert_element_type3A_402, %mul3A_404 : vector<16xf32>
      %swap3A_406 = arith.constant 48 : index
      %swap3A_407 = tpu.vector_load %arg5[%swap3A_406] {strides = array<i32>} : memref<224xf32, #tpu.memory_space<vmem>>, vector<16xf32>,
      %swap3A_408 = vector.shape_cast %swap3A_407 : vector<16xf32> to vector<16xf32>
      %swap3A_409 = vector.shape_cast %mul3A_405 : vector<16xf32> to vector<16xf32>
      tpu.vector_store %arg5[%swap3A_406], %swap3A_409 {strides = array<i32>} : memref<224xf32, #tpu.memory_space<vmem>>, vector<16xf32>,
      %div3A_410 = vector.broadcast %sub3A : f32 to vector<16xf32>
      %div3A_411 = arith.divf %get3A_16, %div3A_410 : vector<16xf32>
      %mul3A_412 = arith.constant 7.000000e+00 : f32
      %mul3A_413 = vector.broadcast %mul3A_412 : f32 to vector<16xf32>
      %mul3A_414 = arith.mulf %div3A_411, %mul3A_413 : vector<16xf32>
      %mul3A_415 = arith.constant 5.120000e+02 : f32
      %mul3A_416 = vector.broadcast %mul3A_415 : f32 to vector<16xf32>
      %mul3A_417 = arith.mulf %mul3A_414, %mul3A_416 : vector<16xf32>
      %div3A_418 = arith.constant 7.000000e+00 : f32
      %div3A_419 = vector.broadcast %div3A_418 : f32 to vector<16xf32>
      %div3A_420 = arith.divf %mul3A_417, %div3A_419 : vector<16xf32>
      %add3A_421 = arith.constant 5.000000e-01 : f32
      %add3A_422 = vector.broadcast %add3A_421 : f32 to vector<16xf32>
      %add3A_423 = arith.addf %div3A_420, %add3A_422 : vector<16xf32>
      %jit3A_424 = arith.constant 0.000000e+00 : f32
      %jit3A_425 = arith.constant 5.110000e+02 : f32
      %max3A_426 = vector.broadcast %jit3A_424 : f32 to vector<16xf32>
      %max3A_427 = arith.maximumf %max3A_426, %add3A_423 : vector<16xf32>
      %min3A_428 = vector.broadcast %jit3A_425 : f32 to vector<16xf32>
      %min3A_429 = arith.minimumf %min3A_428, %max3A_427 : vector<16xf32>
      %convert_element_type3A_430 = arith.fptosi %min3A_429 : vector<16xf32> to vector<16xi32>
      %sub3A_431 = arith.constant 1 : i32
      %sub3A_432 = vector.broadcast %sub3A_431 : i32 to vector<16xi32>
      %sub3A_433 = arith.subi %convert_element_type3A_430, %sub3A_432 : vector<16xi32>
      %max3A_434 = arith.constant 0 : i32
      %max3A_435 = vector.broadcast %max3A_434 : i32 to vector<16xi32>
      %max3A_436 = arith.maxsi %sub3A_433, %max3A_435 : vector<16xi32>
      %add3A_437 = arith.constant 1 : i32
      %add3A_438 = vector.broadcast %add3A_437 : i32 to vector<16xi32>
      %add3A_439 = arith.addi %convert_element_type3A_430, %add3A_438 : vector<16xi32>
      %min3A_440 = arith.constant 511 : i32
      %min3A_441 = vector.broadcast %min3A_440 : i32 to vector<16xi32>
      %min3A_442 = arith.minsi %add3A_439, %min3A_441 : vector<16xi32>
      %convert_element_type3A_443 = arith.sitofp %max3A_436 : vector<16xi32> to vector<16xf32>
      %mul3A_444 = arith.constant 7.000000e+00 : f32
      %mul3A_445 = vector.broadcast %mul3A_444 : f32 to vector<16xf32>
      %mul3A_446 = arith.mulf %convert_element_type3A_443, %mul3A_445 : vector<16xf32>
      %sub3A_447 = arith.subf %mul3A_417, %mul3A_446 : vector<16xf32>
      %abs3A_448 = math.absf %sub3A_447 : vector<16xf32>
      %convert_element_type3A_449 = arith.sitofp %convert_element_type3A_430 : vector<16xi32> to vector<16xf32>
      %mul3A_450 = arith.constant 7.000000e+00 : f32
      %mul3A_451 = vector.broadcast %mul3A_450 : f32 to vector<16xf32>
      %mul3A_452 = arith.mulf %convert_element_type3A_449, %mul3A_451 : vector<16xf32>
      %sub3A_453 = arith.subf %mul3A_417, %mul3A_452 : vector<16xf32>
      %abs3A_454 = math.absf %sub3A_453 : vector<16xf32>
      %convert_element_type3A_455 = arith.sitofp %min3A_442 : vector<16xi32> to vector<16xf32>
      %mul3A_456 = arith.constant 7.000000e+00 : f32
      %mul3A_457 = vector.broadcast %mul3A_456 : f32 to vector<16xf32>
      %mul3A_458 = arith.mulf %convert_element_type3A_455, %mul3A_457 : vector<16xf32>
      %sub3A_459 = arith.subf %mul3A_417, %mul3A_458 : vector<16xf32>
      %abs3A_460 = math.absf %sub3A_459 : vector<16xf32>
      %lt3A_461 = arith.cmpf olt, %abs3A_454, %abs3A_448 : vector<16xf32>
      %select_n3A_462 = arith.select %lt3A_461, %convert_element_type3A_430, %max3A_436 : vector<16xi1>, vector<16xi32>
      %select_n3A_463 = arith.select %lt3A_461, %abs3A_454, %abs3A_448 : vector<16xi1>, vector<16xf32>
      %lt3A_464 = arith.cmpf olt, %abs3A_460, %select_n3A_463 : vector<16xf32>
      %select_n3A_465 = arith.select %lt3A_464, %min3A_442, %select_n3A_462 : vector<16xi1>, vector<16xi32>
      %convert_element_type3A_466 = arith.sitofp %select_n3A_465 : vector<16xi32> to vector<16xf32>
      %mul3A_467 = arith.constant 7.000000e+00 : f32
      %mul3A_468 = vector.broadcast %mul3A_467 : f32 to vector<16xf32>
      %mul3A_469 = arith.mulf %convert_element_type3A_466, %mul3A_468 : vector<16xf32>
      %swap3A_470 = arith.constant 64 : index
      %swap3A_471 = tpu.vector_load %arg5[%swap3A_470] {strides = array<i32>} : memref<224xf32, #tpu.memory_space<vmem>>, vector<16xf32>,
      %swap3A_472 = vector.shape_cast %swap3A_471 : vector<16xf32> to vector<16xf32>
      %swap3A_473 = vector.shape_cast %mul3A_469 : vector<16xf32> to vector<16xf32>
      tpu.vector_store %arg5[%swap3A_470], %swap3A_473 {strides = array<i32>} : memref<224xf32, #tpu.memory_space<vmem>>, vector<16xf32>,
      %div3A_474 = vector.broadcast %sub3A : f32 to vector<16xf32>
      %div3A_475 = arith.divf %get3A_19, %div3A_474 : vector<16xf32>
      %mul3A_476 = arith.constant 7.000000e+00 : f32
      %mul3A_477 = vector.broadcast %mul3A_476 : f32 to vector<16xf32>
      %mul3A_478 = arith.mulf %div3A_475, %mul3A_477 : vector<16xf32>
      %mul3A_479 = arith.constant 5.120000e+02 : f32
      %mul3A_480 = vector.broadcast %mul3A_479 : f32 to vector<16xf32>
      %mul3A_481 = arith.mulf %mul3A_478, %mul3A_480 : vector<16xf32>
      %div3A_482 = arith.constant 7.000000e+00 : f32
      %div3A_483 = vector.broadcast %div3A_482 : f32 to vector<16xf32>
      %div3A_484 = arith.divf %mul3A_481, %div3A_483 : vector<16xf32>
      %add3A_485 = arith.constant 5.000000e-01 : f32
      %add3A_486 = vector.broadcast %add3A_485 : f32 to vector<16xf32>
      %add3A_487 = arith.addf %div3A_484, %add3A_486 : vector<16xf32>
      %jit3A_488 = arith.constant 0.000000e+00 : f32
      %jit3A_489 = arith.constant 5.110000e+02 : f32
      %max3A_490 = vector.broadcast %jit3A_488 : f32 to vector<16xf32>
      %max3A_491 = arith.maximumf %max3A_490, %add3A_487 : vector<16xf32>
      %min3A_492 = vector.broadcast %jit3A_489 : f32 to vector<16xf32>
      %min3A_493 = arith.minimumf %min3A_492, %max3A_491 : vector<16xf32>
      %convert_element_type3A_494 = arith.fptosi %min3A_493 : vector<16xf32> to vector<16xi32>
      %sub3A_495 = arith.constant 1 : i32
      %sub3A_496 = vector.broadcast %sub3A_495 : i32 to vector<16xi32>
      %sub3A_497 = arith.subi %convert_element_type3A_494, %sub3A_496 : vector<16xi32>
      %max3A_498 = arith.constant 0 : i32
      %max3A_499 = vector.broadcast %max3A_498 : i32 to vector<16xi32>
      %max3A_500 = arith.maxsi %sub3A_497, %max3A_499 : vector<16xi32>
      %add3A_501 = arith.constant 1 : i32
      %add3A_502 = vector.broadcast %add3A_501 : i32 to vector<16xi32>
      %add3A_503 = arith.addi %convert_element_type3A_494, %add3A_502 : vector<16xi32>
      %min3A_504 = arith.constant 511 : i32
      %min3A_505 = vector.broadcast %min3A_504 : i32 to vector<16xi32>
      %min3A_506 = arith.minsi %add3A_503, %min3A_505 : vector<16xi32>
      %convert_element_type3A_507 = arith.sitofp %max3A_500 : vector<16xi32> to vector<16xf32>
      %mul3A_508 = arith.constant 7.000000e+00 : f32
      %mul3A_509 = vector.broadcast %mul3A_508 : f32 to vector<16xf32>
      %mul3A_510 = arith.mulf %convert_element_type3A_507, %mul3A_509 : vector<16xf32>
      %sub3A_511 = arith.subf %mul3A_481, %mul3A_510 : vector<16xf32>
      %abs3A_512 = math.absf %sub3A_511 : vector<16xf32>
      %convert_element_type3A_513 = arith.sitofp %convert_element_type3A_494 : vector<16xi32> to vector<16xf32>
      %mul3A_514 = arith.constant 7.000000e+00 : f32
      %mul3A_515 = vector.broadcast %mul3A_514 : f32 to vector<16xf32>
      %mul3A_516 = arith.mulf %convert_element_type3A_513, %mul3A_515 : vector<16xf32>
      %sub3A_517 = arith.subf %mul3A_481, %mul3A_516 : vector<16xf32>
      %abs3A_518 = math.absf %sub3A_517 : vector<16xf32>
      %convert_element_type3A_519 = arith.sitofp %min3A_506 : vector<16xi32> to vector<16xf32>
      %mul3A_520 = arith.constant 7.000000e+00 : f32
      %mul3A_521 = vector.broadcast %mul3A_520 : f32 to vector<16xf32>
      %mul3A_522 = arith.mulf %convert_element_type3A_519, %mul3A_521 : vector<16xf32>
      %sub3A_523 = arith.subf %mul3A_481, %mul3A_522 : vector<16xf32>
      %abs3A_524 = math.absf %sub3A_523 : vector<16xf32>
      %lt3A_525 = arith.cmpf olt, %abs3A_518, %abs3A_512 : vector<16xf32>
      %select_n3A_526 = arith.select %lt3A_525, %convert_element_type3A_494, %max3A_500 : vector<16xi1>, vector<16xi32>
      %select_n3A_527 = arith.select %lt3A_525, %abs3A_518, %abs3A_512 : vector<16xi1>, vector<16xf32>
      %lt3A_528 = arith.cmpf olt, %abs3A_524, %select_n3A_527 : vector<16xf32>
      %select_n3A_529 = arith.select %lt3A_528, %min3A_506, %select_n3A_526 : vector<16xi1>, vector<16xi32>
      %convert_element_type3A_530 = arith.sitofp %select_n3A_529 : vector<16xi32> to vector<16xf32>
      %mul3A_531 = arith.constant 7.000000e+00 : f32
      %mul3A_532 = vector.broadcast %mul3A_531 : f32 to vector<16xf32>
      %mul3A_533 = arith.mulf %convert_element_type3A_530, %mul3A_532 : vector<16xf32>
      %swap3A_534 = arith.constant 80 : index
      %swap3A_535 = tpu.vector_load %arg5[%swap3A_534] {strides = array<i32>} : memref<224xf32, #tpu.memory_space<vmem>>, vector<16xf32>,
      %swap3A_536 = vector.shape_cast %swap3A_535 : vector<16xf32> to vector<16xf32>
      %swap3A_537 = vector.shape_cast %mul3A_533 : vector<16xf32> to vector<16xf32>
      tpu.vector_store %arg5[%swap3A_534], %swap3A_537 {strides = array<i32>} : memref<224xf32, #tpu.memory_space<vmem>>, vector<16xf32>,
      %div3A_538 = vector.broadcast %sub3A : f32 to vector<16xf32>
      %div3A_539 = arith.divf %get3A_22, %div3A_538 : vector<16xf32>
      %mul3A_540 = arith.constant 7.000000e+00 : f32
      %mul3A_541 = vector.broadcast %mul3A_540 : f32 to vector<16xf32>
      %mul3A_542 = arith.mulf %div3A_539, %mul3A_541 : vector<16xf32>
      %mul3A_543 = arith.constant 5.120000e+02 : f32
      %mul3A_544 = vector.broadcast %mul3A_543 : f32 to vector<16xf32>
      %mul3A_545 = arith.mulf %mul3A_542, %mul3A_544 : vector<16xf32>
      %div3A_546 = arith.constant 7.000000e+00 : f32
      %div3A_547 = vector.broadcast %div3A_546 : f32 to vector<16xf32>
      %div3A_548 = arith.divf %mul3A_545, %div3A_547 : vector<16xf32>
      %add3A_549 = arith.constant 5.000000e-01 : f32
      %add3A_550 = vector.broadcast %add3A_549 : f32 to vector<16xf32>
      %add3A_551 = arith.addf %div3A_548, %add3A_550 : vector<16xf32>
      %jit3A_552 = arith.constant 0.000000e+00 : f32
      %jit3A_553 = arith.constant 5.110000e+02 : f32
      %max3A_554 = vector.broadcast %jit3A_552 : f32 to vector<16xf32>
      %max3A_555 = arith.maximumf %max3A_554, %add3A_551 : vector<16xf32>
      %min3A_556 = vector.broadcast %jit3A_553 : f32 to vector<16xf32>
      %min3A_557 = arith.minimumf %min3A_556, %max3A_555 : vector<16xf32>
      %convert_element_type3A_558 = arith.fptosi %min3A_557 : vector<16xf32> to vector<16xi32>
      %sub3A_559 = arith.constant 1 : i32
      %sub3A_560 = vector.broadcast %sub3A_559 : i32 to vector<16xi32>
      %sub3A_561 = arith.subi %convert_element_type3A_558, %sub3A_560 : vector<16xi32>
      %max3A_562 = arith.constant 0 : i32
      %max3A_563 = vector.broadcast %max3A_562 : i32 to vector<16xi32>
      %max3A_564 = arith.maxsi %sub3A_561, %max3A_563 : vector<16xi32>
      %add3A_565 = arith.constant 1 : i32
      %add3A_566 = vector.broadcast %add3A_565 : i32 to vector<16xi32>
      %add3A_567 = arith.addi %convert_element_type3A_558, %add3A_566 : vector<16xi32>
      %min3A_568 = arith.constant 511 : i32
      %min3A_569 = vector.broadcast %min3A_568 : i32 to vector<16xi32>
      %min3A_570 = arith.minsi %add3A_567, %min3A_569 : vector<16xi32>
      %convert_element_type3A_571 = arith.sitofp %max3A_564 : vector<16xi32> to vector<16xf32>
      %mul3A_572 = arith.constant 7.000000e+00 : f32
      %mul3A_573 = vector.broadcast %mul3A_572 : f32 to vector<16xf32>
      %mul3A_574 = arith.mulf %convert_element_type3A_571, %mul3A_573 : vector<16xf32>
      %sub3A_575 = arith.subf %mul3A_545, %mul3A_574 : vector<16xf32>
      %abs3A_576 = math.absf %sub3A_575 : vector<16xf32>
      %convert_element_type3A_577 = arith.sitofp %convert_element_type3A_558 : vector<16xi32> to vector<16xf32>
      %mul3A_578 = arith.constant 7.000000e+00 : f32
      %mul3A_579 = vector.broadcast %mul3A_578 : f32 to vector<16xf32>
      %mul3A_580 = arith.mulf %convert_element_type3A_577, %mul3A_579 : vector<16xf32>
      %sub3A_581 = arith.subf %mul3A_545, %mul3A_580 : vector<16xf32>
      %abs3A_582 = math.absf %sub3A_581 : vector<16xf32>
      %convert_element_type3A_583 = arith.sitofp %min3A_570 : vector<16xi32> to vector<16xf32>
      %mul3A_584 = arith.constant 7.000000e+00 : f32
      %mul3A_585 = vector.broadcast %mul3A_584 : f32 to vector<16xf32>
      %mul3A_586 = arith.mulf %convert_element_type3A_583, %mul3A_585 : vector<16xf32>
      %sub3A_587 = arith.subf %mul3A_545, %mul3A_586 : vector<16xf32>
      %abs3A_588 = math.absf %sub3A_587 : vector<16xf32>
      %lt3A_589 = arith.cmpf olt, %abs3A_582, %abs3A_576 : vector<16xf32>
      %select_n3A_590 = arith.select %lt3A_589, %convert_element_type3A_558, %max3A_564 : vector<16xi1>, vector<16xi32>
      %select_n3A_591 = arith.select %lt3A_589, %abs3A_582, %abs3A_576 : vector<16xi1>, vector<16xf32>
      %lt3A_592 = arith.cmpf olt, %abs3A_588, %select_n3A_591 : vector<16xf32>
      %select_n3A_593 = arith.select %lt3A_592, %min3A_570, %select_n3A_590 : vector<16xi1>, vector<16xi32>
      %convert_element_type3A_594 = arith.sitofp %select_n3A_593 : vector<16xi32> to vector<16xf32>
      %mul3A_595 = arith.constant 7.000000e+00 : f32
      %mul3A_596 = vector.broadcast %mul3A_595 : f32 to vector<16xf32>
      %mul3A_597 = arith.mulf %convert_element_type3A_594, %mul3A_596 : vector<16xf32>
      %swap3A_598 = arith.constant 96 : index
      %swap3A_599 = tpu.vector_load %arg5[%swap3A_598] {strides = array<i32>} : memref<224xf32, #tpu.memory_space<vmem>>, vector<16xf32>,
      %swap3A_600 = vector.shape_cast %swap3A_599 : vector<16xf32> to vector<16xf32>
      %swap3A_601 = vector.shape_cast %mul3A_597 : vector<16xf32> to vector<16xf32>
      tpu.vector_store %arg5[%swap3A_598], %swap3A_601 {strides = array<i32>} : memref<224xf32, #tpu.memory_space<vmem>>, vector<16xf32>,
      %div3A_602 = vector.broadcast %sub3A : f32 to vector<16xf32>
      %div3A_603 = arith.divf %get3A_25, %div3A_602 : vector<16xf32>
      %mul3A_604 = arith.constant 7.000000e+00 : f32
      %mul3A_605 = vector.broadcast %mul3A_604 : f32 to vector<16xf32>
      %mul3A_606 = arith.mulf %div3A_603, %mul3A_605 : vector<16xf32>
      %mul3A_607 = arith.constant 5.120000e+02 : f32
      %mul3A_608 = vector.broadcast %mul3A_607 : f32 to vector<16xf32>
      %mul3A_609 = arith.mulf %mul3A_606, %mul3A_608 : vector<16xf32>
      %div3A_610 = arith.constant 7.000000e+00 : f32
      %div3A_611 = vector.broadcast %div3A_610 : f32 to vector<16xf32>
      %div3A_612 = arith.divf %mul3A_609, %div3A_611 : vector<16xf32>
      %add3A_613 = arith.constant 5.000000e-01 : f32
      %add3A_614 = vector.broadcast %add3A_613 : f32 to vector<16xf32>
      %add3A_615 = arith.addf %div3A_612, %add3A_614 : vector<16xf32>
      %jit3A_616 = arith.constant 0.000000e+00 : f32
      %jit3A_617 = arith.constant 5.110000e+02 : f32
      %max3A_618 = vector.broadcast %jit3A_616 : f32 to vector<16xf32>
      %max3A_619 = arith.maximumf %max3A_618, %add3A_615 : vector<16xf32>
      %min3A_620 = vector.broadcast %jit3A_617 : f32 to vector<16xf32>
      %min3A_621 = arith.minimumf %min3A_620, %max3A_619 : vector<16xf32>
      %convert_element_type3A_622 = arith.fptosi %min3A_621 : vector<16xf32> to vector<16xi32>
      %sub3A_623 = arith.constant 1 : i32
      %sub3A_624 = vector.broadcast %sub3A_623 : i32 to vector<16xi32>
      %sub3A_625 = arith.subi %convert_element_type3A_622, %sub3A_624 : vector<16xi32>
      %max3A_626 = arith.constant 0 : i32
      %max3A_627 = vector.broadcast %max3A_626 : i32 to vector<16xi32>
      %max3A_628 = arith.maxsi %sub3A_625, %max3A_627 : vector<16xi32>
      %add3A_629 = arith.constant 1 : i32
      %add3A_630 = vector.broadcast %add3A_629 : i32 to vector<16xi32>
      %add3A_631 = arith.addi %convert_element_type3A_622, %add3A_630 : vector<16xi32>
      %min3A_632 = arith.constant 511 : i32
      %min3A_633 = vector.broadcast %min3A_632 : i32 to vector<16xi32>
      %min3A_634 = arith.minsi %add3A_631, %min3A_633 : vector<16xi32>
      %convert_element_type3A_635 = arith.sitofp %max3A_628 : vector<16xi32> to vector<16xf32>
      %mul3A_636 = arith.constant 7.000000e+00 : f32
      %mul3A_637 = vector.broadcast %mul3A_636 : f32 to vector<16xf32>
      %mul3A_638 = arith.mulf %convert_element_type3A_635, %mul3A_637 : vector<16xf32>
      %sub3A_639 = arith.subf %mul3A_609, %mul3A_638 : vector<16xf32>
      %abs3A_640 = math.absf %sub3A_639 : vector<16xf32>
      %convert_element_type3A_641 = arith.sitofp %convert_element_type3A_622 : vector<16xi32> to vector<16xf32>
      %mul3A_642 = arith.constant 7.000000e+00 : f32
      %mul3A_643 = vector.broadcast %mul3A_642 : f32 to vector<16xf32>
      %mul3A_644 = arith.mulf %convert_element_type3A_641, %mul3A_643 : vector<16xf32>
      %sub3A_645 = arith.subf %mul3A_609, %mul3A_644 : vector<16xf32>
      %abs3A_646 = math.absf %sub3A_645 : vector<16xf32>
      %convert_element_type3A_647 = arith.sitofp %min3A_634 : vector<16xi32> to vector<16xf32>
      %mul3A_648 = arith.constant 7.000000e+00 : f32
      %mul3A_649 = vector.broadcast %mul3A_648 : f32 to vector<16xf32>
      %mul3A_650 = arith.mulf %convert_element_type3A_647, %mul3A_649 : vector<16xf32>
      %sub3A_651 = arith.subf %mul3A_609, %mul3A_650 : vector<16xf32>
      %abs3A_652 = math.absf %sub3A_651 : vector<16xf32>
      %lt3A_653 = arith.cmpf olt, %abs3A_646, %abs3A_640 : vector<16xf32>
      %select_n3A_654 = arith.select %lt3A_653, %convert_element_type3A_622, %max3A_628 : vector<16xi1>, vector<16xi32>
      %select_n3A_655 = arith.select %lt3A_653, %abs3A_646, %abs3A_640 : vector<16xi1>, vector<16xf32>
      %lt3A_656 = arith.cmpf olt, %abs3A_652, %select_n3A_655 : vector<16xf32>
      %select_n3A_657 = arith.select %lt3A_656, %min3A_634, %select_n3A_654 : vector<16xi1>, vector<16xi32>
      %convert_element_type3A_658 = arith.sitofp %select_n3A_657 : vector<16xi32> to vector<16xf32>
      %mul3A_659 = arith.constant 7.000000e+00 : f32
      %mul3A_660 = vector.broadcast %mul3A_659 : f32 to vector<16xf32>
      %mul3A_661 = arith.mulf %convert_element_type3A_658, %mul3A_660 : vector<16xf32>
      %swap3A_662 = arith.constant 112 : index
      %swap3A_663 = tpu.vector_load %arg5[%swap3A_662] {strides = array<i32>} : memref<224xf32, #tpu.memory_space<vmem>>, vector<16xf32>,
      %swap3A_664 = vector.shape_cast %swap3A_663 : vector<16xf32> to vector<16xf32>
      %swap3A_665 = vector.shape_cast %mul3A_661 : vector<16xf32> to vector<16xf32>
      tpu.vector_store %arg5[%swap3A_662], %swap3A_665 {strides = array<i32>} : memref<224xf32, #tpu.memory_space<vmem>>, vector<16xf32>,
      %div3A_666 = vector.broadcast %sub3A : f32 to vector<16xf32>
      %div3A_667 = arith.divf %get3A_28, %div3A_666 : vector<16xf32>
      %mul3A_668 = arith.constant 7.000000e+00 : f32
      %mul3A_669 = vector.broadcast %mul3A_668 : f32 to vector<16xf32>
      %mul3A_670 = arith.mulf %div3A_667, %mul3A_669 : vector<16xf32>
      %mul3A_671 = arith.constant 5.120000e+02 : f32
      %mul3A_672 = vector.broadcast %mul3A_671 : f32 to vector<16xf32>
      %mul3A_673 = arith.mulf %mul3A_670, %mul3A_672 : vector<16xf32>
      %div3A_674 = arith.constant 7.000000e+00 : f32
      %div3A_675 = vector.broadcast %div3A_674 : f32 to vector<16xf32>
      %div3A_676 = arith.divf %mul3A_673, %div3A_675 : vector<16xf32>
      %add3A_677 = arith.constant 5.000000e-01 : f32
      %add3A_678 = vector.broadcast %add3A_677 : f32 to vector<16xf32>
      %add3A_679 = arith.addf %div3A_676, %add3A_678 : vector<16xf32>
      %jit3A_680 = arith.constant 0.000000e+00 : f32
      %jit3A_681 = arith.constant 5.110000e+02 : f32
      %max3A_682 = vector.broadcast %jit3A_680 : f32 to vector<16xf32>
      %max3A_683 = arith.maximumf %max3A_682, %add3A_679 : vector<16xf32>
      %min3A_684 = vector.broadcast %jit3A_681 : f32 to vector<16xf32>
      %min3A_685 = arith.minimumf %min3A_684, %max3A_683 : vector<16xf32>
      %convert_element_type3A_686 = arith.fptosi %min3A_685 : vector<16xf32> to vector<16xi32>
      %sub3A_687 = arith.constant 1 : i32
      %sub3A_688 = vector.broadcast %sub3A_687 : i32 to vector<16xi32>
      %sub3A_689 = arith.subi %convert_element_type3A_686, %sub3A_688 : vector<16xi32>
      %max3A_690 = arith.constant 0 : i32
      %max3A_691 = vector.broadcast %max3A_690 : i32 to vector<16xi32>
      %max3A_692 = arith.maxsi %sub3A_689, %max3A_691 : vector<16xi32>
      %add3A_693 = arith.constant 1 : i32
      %add3A_694 = vector.broadcast %add3A_693 : i32 to vector<16xi32>
      %add3A_695 = arith.addi %convert_element_type3A_686, %add3A_694 : vector<16xi32>
      %min3A_696 = arith.constant 511 : i32
      %min3A_697 = vector.broadcast %min3A_696 : i32 to vector<16xi32>
      %min3A_698 = arith.minsi %add3A_695, %min3A_697 : vector<16xi32>
      %convert_element_type3A_699 = arith.sitofp %max3A_692 : vector<16xi32> to vector<16xf32>
      %mul3A_700 = arith.constant 7.000000e+00 : f32
      %mul3A_701 = vector.broadcast %mul3A_700 : f32 to vector<16xf32>
      %mul3A_702 = arith.mulf %convert_element_type3A_699, %mul3A_701 : vector<16xf32>
      %sub3A_703 = arith.subf %mul3A_673, %mul3A_702 : vector<16xf32>
      %abs3A_704 = math.absf %sub3A_703 : vector<16xf32>
      %convert_element_type3A_705 = arith.sitofp %convert_element_type3A_686 : vector<16xi32> to vector<16xf32>
      %mul3A_706 = arith.constant 7.000000e+00 : f32
      %mul3A_707 = vector.broadcast %mul3A_706 : f32 to vector<16xf32>
      %mul3A_708 = arith.mulf %convert_element_type3A_705, %mul3A_707 : vector<16xf32>
      %sub3A_709 = arith.subf %mul3A_673, %mul3A_708 : vector<16xf32>
      %abs3A_710 = math.absf %sub3A_709 : vector<16xf32>
      %convert_element_type3A_711 = arith.sitofp %min3A_698 : vector<16xi32> to vector<16xf32>
      %mul3A_712 = arith.constant 7.000000e+00 : f32
      %mul3A_713 = vector.broadcast %mul3A_712 : f32 to vector<16xf32>
      %mul3A_714 = arith.mulf %convert_element_type3A_711, %mul3A_713 : vector<16xf32>
      %sub3A_715 = arith.subf %mul3A_673, %mul3A_714 : vector<16xf32>
      %abs3A_716 = math.absf %sub3A_715 : vector<16xf32>
      %lt3A_717 = arith.cmpf olt, %abs3A_710, %abs3A_704 : vector<16xf32>
      %select_n3A_718 = arith.select %lt3A_717, %convert_element_type3A_686, %max3A_692 : vector<16xi1>, vector<16xi32>
      %select_n3A_719 = arith.select %lt3A_717, %abs3A_710, %abs3A_704 : vector<16xi1>, vector<16xf32>
      %lt3A_720 = arith.cmpf olt, %abs3A_716, %select_n3A_719 : vector<16xf32>
      %select_n3A_721 = arith.select %lt3A_720, %min3A_698, %select_n3A_718 : vector<16xi1>, vector<16xi32>
      %convert_element_type3A_722 = arith.sitofp %select_n3A_721 : vector<16xi32> to vector<16xf32>
      %mul3A_723 = arith.constant 7.000000e+00 : f32
      %mul3A_724 = vector.broadcast %mul3A_723 : f32 to vector<16xf32>
      %mul3A_725 = arith.mulf %convert_element_type3A_722, %mul3A_724 : vector<16xf32>
      %swap3A_726 = arith.constant 128 : index
      %swap3A_727 = tpu.vector_load %arg5[%swap3A_726] {strides = array<i32>} : memref<224xf32, #tpu.memory_space<vmem>>, vector<16xf32>,
      %swap3A_728 = vector.shape_cast %swap3A_727 : vector<16xf32> to vector<16xf32>
      %swap3A_729 = vector.shape_cast %mul3A_725 : vector<16xf32> to vector<16xf32>
      tpu.vector_store %arg5[%swap3A_726], %swap3A_729 {strides = array<i32>} : memref<224xf32, #tpu.memory_space<vmem>>, vector<16xf32>,
      %div3A_730 = vector.broadcast %sub3A : f32 to vector<16xf32>
      %div3A_731 = arith.divf %get3A_31, %div3A_730 : vector<16xf32>
      %mul3A_732 = arith.constant 7.000000e+00 : f32
      %mul3A_733 = vector.broadcast %mul3A_732 : f32 to vector<16xf32>
      %mul3A_734 = arith.mulf %div3A_731, %mul3A_733 : vector<16xf32>
      %mul3A_735 = arith.constant 5.120000e+02 : f32
      %mul3A_736 = vector.broadcast %mul3A_735 : f32 to vector<16xf32>
      %mul3A_737 = arith.mulf %mul3A_734, %mul3A_736 : vector<16xf32>
      %div3A_738 = arith.constant 7.000000e+00 : f32
      %div3A_739 = vector.broadcast %div3A_738 : f32 to vector<16xf32>
      %div3A_740 = arith.divf %mul3A_737, %div3A_739 : vector<16xf32>
      %add3A_741 = arith.constant 5.000000e-01 : f32
      %add3A_742 = vector.broadcast %add3A_741 : f32 to vector<16xf32>
      %add3A_743 = arith.addf %div3A_740, %add3A_742 : vector<16xf32>
      %jit3A_744 = arith.constant 0.000000e+00 : f32
      %jit3A_745 = arith.constant 5.110000e+02 : f32
      %max3A_746 = vector.broadcast %jit3A_744 : f32 to vector<16xf32>
      %max3A_747 = arith.maximumf %max3A_746, %add3A_743 : vector<16xf32>
      %min3A_748 = vector.broadcast %jit3A_745 : f32 to vector<16xf32>
      %min3A_749 = arith.minimumf %min3A_748, %max3A_747 : vector<16xf32>
      %convert_element_type3A_750 = arith.fptosi %min3A_749 : vector<16xf32> to vector<16xi32>
      %sub3A_751 = arith.constant 1 : i32
      %sub3A_752 = vector.broadcast %sub3A_751 : i32 to vector<16xi32>
      %sub3A_753 = arith.subi %convert_element_type3A_750, %sub3A_752 : vector<16xi32>
      %max3A_754 = arith.constant 0 : i32
      %max3A_755 = vector.broadcast %max3A_754 : i32 to vector<16xi32>
      %max3A_756 = arith.maxsi %sub3A_753, %max3A_755 : vector<16xi32>
      %add3A_757 = arith.constant 1 : i32
      %add3A_758 = vector.broadcast %add3A_757 : i32 to vector<16xi32>
      %add3A_759 = arith.addi %convert_element_type3A_750, %add3A_758 : vector<16xi32>
      %min3A_760 = arith.constant 511 : i32
      %min3A_761 = vector.broadcast %min3A_760 : i32 to vector<16xi32>
      %min3A_762 = arith.minsi %add3A_759, %min3A_761 : vector<16xi32>
      %convert_element_type3A_763 = arith.sitofp %max3A_756 : vector<16xi32> to vector<16xf32>
      %mul3A_764 = arith.constant 7.000000e+00 : f32
      %mul3A_765 = vector.broadcast %mul3A_764 : f32 to vector<16xf32>
      %mul3A_766 = arith.mulf %convert_element_type3A_763, %mul3A_765 : vector<16xf32>
      %sub3A_767 = arith.subf %mul3A_737, %mul3A_766 : vector<16xf32>
      %abs3A_768 = math.absf %sub3A_767 : vector<16xf32>
      %convert_element_type3A_769 = arith.sitofp %convert_element_type3A_750 : vector<16xi32> to vector<16xf32>
      %mul3A_770 = arith.constant 7.000000e+00 : f32
      %mul3A_771 = vector.broadcast %mul3A_770 : f32 to vector<16xf32>
      %mul3A_772 = arith.mulf %convert_element_type3A_769, %mul3A_771 : vector<16xf32>
      %sub3A_773 = arith.subf %mul3A_737, %mul3A_772 : vector<16xf32>
      %abs3A_774 = math.absf %sub3A_773 : vector<16xf32>
      %convert_element_type3A_775 = arith.sitofp %min3A_762 : vector<16xi32> to vector<16xf32>
      %mul3A_776 = arith.constant 7.000000e+00 : f32
      %mul3A_777 = vector.broadcast %mul3A_776 : f32 to vector<16xf32>
      %mul3A_778 = arith.mulf %convert_element_type3A_775, %mul3A_777 : vector<16xf32>
      %sub3A_779 = arith.subf %mul3A_737, %mul3A_778 : vector<16xf32>
      %abs3A_780 = math.absf %sub3A_779 : vector<16xf32>
      %lt3A_781 = arith.cmpf olt, %abs3A_774, %abs3A_768 : vector<16xf32>
      %select_n3A_782 = arith.select %lt3A_781, %convert_element_type3A_750, %max3A_756 : vector<16xi1>, vector<16xi32>
      %select_n3A_783 = arith.select %lt3A_781, %abs3A_774, %abs3A_768 : vector<16xi1>, vector<16xf32>
      %lt3A_784 = arith.cmpf olt, %abs3A_780, %select_n3A_783 : vector<16xf32>
      %select_n3A_785 = arith.select %lt3A_784, %min3A_762, %select_n3A_782 : vector<16xi1>, vector<16xi32>
      %convert_element_type3A_786 = arith.sitofp %select_n3A_785 : vector<16xi32> to vector<16xf32>
      %mul3A_787 = arith.constant 7.000000e+00 : f32
      %mul3A_788 = vector.broadcast %mul3A_787 : f32 to vector<16xf32>
      %mul3A_789 = arith.mulf %convert_element_type3A_786, %mul3A_788 : vector<16xf32>
      %swap3A_790 = arith.constant 144 : index
      %swap3A_791 = tpu.vector_load %arg5[%swap3A_790] {strides = array<i32>} : memref<224xf32, #tpu.memory_space<vmem>>, vector<16xf32>,
      %swap3A_792 = vector.shape_cast %swap3A_791 : vector<16xf32> to vector<16xf32>
      %swap3A_793 = vector.shape_cast %mul3A_789 : vector<16xf32> to vector<16xf32>
      tpu.vector_store %arg5[%swap3A_790], %swap3A_793 {strides = array<i32>} : memref<224xf32, #tpu.memory_space<vmem>>, vector<16xf32>,
      %div3A_794 = vector.broadcast %sub3A : f32 to vector<16xf32>
      %div3A_795 = arith.divf %get3A_34, %div3A_794 : vector<16xf32>
      %mul3A_796 = arith.constant 7.000000e+00 : f32
      %mul3A_797 = vector.broadcast %mul3A_796 : f32 to vector<16xf32>
      %mul3A_798 = arith.mulf %div3A_795, %mul3A_797 : vector<16xf32>
      %mul3A_799 = arith.constant 5.120000e+02 : f32
      %mul3A_800 = vector.broadcast %mul3A_799 : f32 to vector<16xf32>
      %mul3A_801 = arith.mulf %mul3A_798, %mul3A_800 : vector<16xf32>
      %div3A_802 = arith.constant 7.000000e+00 : f32
      %div3A_803 = vector.broadcast %div3A_802 : f32 to vector<16xf32>
      %div3A_804 = arith.divf %mul3A_801, %div3A_803 : vector<16xf32>
      %add3A_805 = arith.constant 5.000000e-01 : f32
      %add3A_806 = vector.broadcast %add3A_805 : f32 to vector<16xf32>
      %add3A_807 = arith.addf %div3A_804, %add3A_806 : vector<16xf32>
      %jit3A_808 = arith.constant 0.000000e+00 : f32
      %jit3A_809 = arith.constant 5.110000e+02 : f32
      %max3A_810 = vector.broadcast %jit3A_808 : f32 to vector<16xf32>
      %max3A_811 = arith.maximumf %max3A_810, %add3A_807 : vector<16xf32>
      %min3A_812 = vector.broadcast %jit3A_809 : f32 to vector<16xf32>
      %min3A_813 = arith.minimumf %min3A_812, %max3A_811 : vector<16xf32>
      %convert_element_type3A_814 = arith.fptosi %min3A_813 : vector<16xf32> to vector<16xi32>
      %sub3A_815 = arith.constant 1 : i32
      %sub3A_816 = vector.broadcast %sub3A_815 : i32 to vector<16xi32>
      %sub3A_817 = arith.subi %convert_element_type3A_814, %sub3A_816 : vector<16xi32>
      %max3A_818 = arith.constant 0 : i32
      %max3A_819 = vector.broadcast %max3A_818 : i32 to vector<16xi32>
      %max3A_820 = arith.maxsi %sub3A_817, %max3A_819 : vector<16xi32>
      %add3A_821 = arith.constant 1 : i32
      %add3A_822 = vector.broadcast %add3A_821 : i32 to vector<16xi32>
      %add3A_823 = arith.addi %convert_element_type3A_814, %add3A_822 : vector<16xi32>
      %min3A_824 = arith.constant 511 : i32
      %min3A_825 = vector.broadcast %min3A_824 : i32 to vector<16xi32>
      %min3A_826 = arith.minsi %add3A_823, %min3A_825 : vector<16xi32>
      %convert_element_type3A_827 = arith.sitofp %max3A_820 : vector<16xi32> to vector<16xf32>
      %mul3A_828 = arith.constant 7.000000e+00 : f32
      %mul3A_829 = vector.broadcast %mul3A_828 : f32 to vector<16xf32>
      %mul3A_830 = arith.mulf %convert_element_type3A_827, %mul3A_829 : vector<16xf32>
      %sub3A_831 = arith.subf %mul3A_801, %mul3A_830 : vector<16xf32>
      %abs3A_832 = math.absf %sub3A_831 : vector<16xf32>
      %convert_element_type3A_833 = arith.sitofp %convert_element_type3A_814 : vector<16xi32> to vector<16xf32>
      %mul3A_834 = arith.constant 7.000000e+00 : f32
      %mul3A_835 = vector.broadcast %mul3A_834 : f32 to vector<16xf32>
      %mul3A_836 = arith.mulf %convert_element_type3A_833, %mul3A_835 : vector<16xf32>
      %sub3A_837 = arith.subf %mul3A_801, %mul3A_836 : vector<16xf32>
      %abs3A_838 = math.absf %sub3A_837 : vector<16xf32>
      %convert_element_type3A_839 = arith.sitofp %min3A_826 : vector<16xi32> to vector<16xf32>
      %mul3A_840 = arith.constant 7.000000e+00 : f32
      %mul3A_841 = vector.broadcast %mul3A_840 : f32 to vector<16xf32>
      %mul3A_842 = arith.mulf %convert_element_type3A_839, %mul3A_841 : vector<16xf32>
      %sub3A_843 = arith.subf %mul3A_801, %mul3A_842 : vector<16xf32>
      %abs3A_844 = math.absf %sub3A_843 : vector<16xf32>
      %lt3A_845 = arith.cmpf olt, %abs3A_838, %abs3A_832 : vector<16xf32>
      %select_n3A_846 = arith.select %lt3A_845, %convert_element_type3A_814, %max3A_820 : vector<16xi1>, vector<16xi32>
      %select_n3A_847 = arith.select %lt3A_845, %abs3A_838, %abs3A_832 : vector<16xi1>, vector<16xf32>
      %lt3A_848 = arith.cmpf olt, %abs3A_844, %select_n3A_847 : vector<16xf32>
      %select_n3A_849 = arith.select %lt3A_848, %min3A_826, %select_n3A_846 : vector<16xi1>, vector<16xi32>
      %convert_element_type3A_850 = arith.sitofp %select_n3A_849 : vector<16xi32> to vector<16xf32>
      %mul3A_851 = arith.constant 7.000000e+00 : f32
      %mul3A_852 = vector.broadcast %mul3A_851 : f32 to vector<16xf32>
      %mul3A_853 = arith.mulf %convert_element_type3A_850, %mul3A_852 : vector<16xf32>
      %swap3A_854 = arith.constant 160 : index
      %swap3A_855 = tpu.vector_load %arg5[%swap3A_854] {strides = array<i32>} : memref<224xf32, #tpu.memory_space<vmem>>, vector<16xf32>,
      %swap3A_856 = vector.shape_cast %swap3A_855 : vector<16xf32> to vector<16xf32>
      %swap3A_857 = vector.shape_cast %mul3A_853 : vector<16xf32> to vector<16xf32>
      tpu.vector_store %arg5[%swap3A_854], %swap3A_857 {strides = array<i32>} : memref<224xf32, #tpu.memory_space<vmem>>, vector<16xf32>,
      %div3A_858 = vector.broadcast %sub3A : f32 to vector<16xf32>
      %div3A_859 = arith.divf %get3A_37, %div3A_858 : vector<16xf32>
      %mul3A_860 = arith.constant 7.000000e+00 : f32
      %mul3A_861 = vector.broadcast %mul3A_860 : f32 to vector<16xf32>
      %mul3A_862 = arith.mulf %div3A_859, %mul3A_861 : vector<16xf32>
      %mul3A_863 = arith.constant 5.120000e+02 : f32
      %mul3A_864 = vector.broadcast %mul3A_863 : f32 to vector<16xf32>
      %mul3A_865 = arith.mulf %mul3A_862, %mul3A_864 : vector<16xf32>
      %div3A_866 = arith.constant 7.000000e+00 : f32
      %div3A_867 = vector.broadcast %div3A_866 : f32 to vector<16xf32>
      %div3A_868 = arith.divf %mul3A_865, %div3A_867 : vector<16xf32>
      %add3A_869 = arith.constant 5.000000e-01 : f32
      %add3A_870 = vector.broadcast %add3A_869 : f32 to vector<16xf32>
      %add3A_871 = arith.addf %div3A_868, %add3A_870 : vector<16xf32>
      %jit3A_872 = arith.constant 0.000000e+00 : f32
      %jit3A_873 = arith.constant 5.110000e+02 : f32
      %max3A_874 = vector.broadcast %jit3A_872 : f32 to vector<16xf32>
      %max3A_875 = arith.maximumf %max3A_874, %add3A_871 : vector<16xf32>
      %min3A_876 = vector.broadcast %jit3A_873 : f32 to vector<16xf32>
      %min3A_877 = arith.minimumf %min3A_876, %max3A_875 : vector<16xf32>
      %convert_element_type3A_878 = arith.fptosi %min3A_877 : vector<16xf32> to vector<16xi32>
      %sub3A_879 = arith.constant 1 : i32
      %sub3A_880 = vector.broadcast %sub3A_879 : i32 to vector<16xi32>
      %sub3A_881 = arith.subi %convert_element_type3A_878, %sub3A_880 : vector<16xi32>
      %max3A_882 = arith.constant 0 : i32
      %max3A_883 = vector.broadcast %max3A_882 : i32 to vector<16xi32>
      %max3A_884 = arith.maxsi %sub3A_881, %max3A_883 : vector<16xi32>
      %add3A_885 = arith.constant 1 : i32
      %add3A_886 = vector.broadcast %add3A_885 : i32 to vector<16xi32>
      %add3A_887 = arith.addi %convert_element_type3A_878, %add3A_886 : vector<16xi32>
      %min3A_888 = arith.constant 511 : i32
      %min3A_889 = vector.broadcast %min3A_888 : i32 to vector<16xi32>
      %min3A_890 = arith.minsi %add3A_887, %min3A_889 : vector<16xi32>
      %convert_element_type3A_891 = arith.sitofp %max3A_884 : vector<16xi32> to vector<16xf32>
      %mul3A_892 = arith.constant 7.000000e+00 : f32
      %mul3A_893 = vector.broadcast %mul3A_892 : f32 to vector<16xf32>
      %mul3A_894 = arith.mulf %convert_element_type3A_891, %mul3A_893 : vector<16xf32>
      %sub3A_895 = arith.subf %mul3A_865, %mul3A_894 : vector<16xf32>
      %abs3A_896 = math.absf %sub3A_895 : vector<16xf32>
      %convert_element_type3A_897 = arith.sitofp %convert_element_type3A_878 : vector<16xi32> to vector<16xf32>
      %mul3A_898 = arith.constant 7.000000e+00 : f32
      %mul3A_899 = vector.broadcast %mul3A_898 : f32 to vector<16xf32>
      %mul3A_900 = arith.mulf %convert_element_type3A_897, %mul3A_899 : vector<16xf32>
      %sub3A_901 = arith.subf %mul3A_865, %mul3A_900 : vector<16xf32>
      %abs3A_902 = math.absf %sub3A_901 : vector<16xf32>
      %convert_element_type3A_903 = arith.sitofp %min3A_890 : vector<16xi32> to vector<16xf32>
      %mul3A_904 = arith.constant 7.000000e+00 : f32
      %mul3A_905 = vector.broadcast %mul3A_904 : f32 to vector<16xf32>
      %mul3A_906 = arith.mulf %convert_element_type3A_903, %mul3A_905 : vector<16xf32>
      %sub3A_907 = arith.subf %mul3A_865, %mul3A_906 : vector<16xf32>
      %abs3A_908 = math.absf %sub3A_907 : vector<16xf32>
      %lt3A_909 = arith.cmpf olt, %abs3A_902, %abs3A_896 : vector<16xf32>
      %select_n3A_910 = arith.select %lt3A_909, %convert_element_type3A_878, %max3A_884 : vector<16xi1>, vector<16xi32>
      %select_n3A_911 = arith.select %lt3A_909, %abs3A_902, %abs3A_896 : vector<16xi1>, vector<16xf32>
      %lt3A_912 = arith.cmpf olt, %abs3A_908, %select_n3A_911 : vector<16xf32>
      %select_n3A_913 = arith.select %lt3A_912, %min3A_890, %select_n3A_910 : vector<16xi1>, vector<16xi32>
      %convert_element_type3A_914 = arith.sitofp %select_n3A_913 : vector<16xi32> to vector<16xf32>
      %mul3A_915 = arith.constant 7.000000e+00 : f32
      %mul3A_916 = vector.broadcast %mul3A_915 : f32 to vector<16xf32>
      %mul3A_917 = arith.mulf %convert_element_type3A_914, %mul3A_916 : vector<16xf32>
      %swap3A_918 = arith.constant 176 : index
      %swap3A_919 = tpu.vector_load %arg5[%swap3A_918] {strides = array<i32>} : memref<224xf32, #tpu.memory_space<vmem>>, vector<16xf32>,
      %swap3A_920 = vector.shape_cast %swap3A_919 : vector<16xf32> to vector<16xf32>
      %swap3A_921 = vector.shape_cast %mul3A_917 : vector<16xf32> to vector<16xf32>
      tpu.vector_store %arg5[%swap3A_918], %swap3A_921 {strides = array<i32>} : memref<224xf32, #tpu.memory_space<vmem>>, vector<16xf32>,
      %div3A_922 = vector.broadcast %sub3A : f32 to vector<16xf32>
      %div3A_923 = arith.divf %get3A_40, %div3A_922 : vector<16xf32>
      %mul3A_924 = arith.constant 7.000000e+00 : f32
      %mul3A_925 = vector.broadcast %mul3A_924 : f32 to vector<16xf32>
      %mul3A_926 = arith.mulf %div3A_923, %mul3A_925 : vector<16xf32>
      %mul3A_927 = arith.constant 5.120000e+02 : f32
      %mul3A_928 = vector.broadcast %mul3A_927 : f32 to vector<16xf32>
      %mul3A_929 = arith.mulf %mul3A_926, %mul3A_928 : vector<16xf32>
      %div3A_930 = arith.constant 7.000000e+00 : f32
      %div3A_931 = vector.broadcast %div3A_930 : f32 to vector<16xf32>
      %div3A_932 = arith.divf %mul3A_929, %div3A_931 : vector<16xf32>
      %add3A_933 = arith.constant 5.000000e-01 : f32
      %add3A_934 = vector.broadcast %add3A_933 : f32 to vector<16xf32>
      %add3A_935 = arith.addf %div3A_932, %add3A_934 : vector<16xf32>
      %jit3A_936 = arith.constant 0.000000e+00 : f32
      %jit3A_937 = arith.constant 5.110000e+02 : f32
      %max3A_938 = vector.broadcast %jit3A_936 : f32 to vector<16xf32>
      %max3A_939 = arith.maximumf %max3A_938, %add3A_935 : vector<16xf32>
      %min3A_940 = vector.broadcast %jit3A_937 : f32 to vector<16xf32>
      %min3A_941 = arith.minimumf %min3A_940, %max3A_939 : vector<16xf32>
      %convert_element_type3A_942 = arith.fptosi %min3A_941 : vector<16xf32> to vector<16xi32>
      %sub3A_943 = arith.constant 1 : i32
      %sub3A_944 = vector.broadcast %sub3A_943 : i32 to vector<16xi32>
      %sub3A_945 = arith.subi %convert_element_type3A_942, %sub3A_944 : vector<16xi32>
      %max3A_946 = arith.constant 0 : i32
      %max3A_947 = vector.broadcast %max3A_946 : i32 to vector<16xi32>
      %max3A_948 = arith.maxsi %sub3A_945, %max3A_947 : vector<16xi32>
      %add3A_949 = arith.constant 1 : i32
      %add3A_950 = vector.broadcast %add3A_949 : i32 to vector<16xi32>
      %add3A_951 = arith.addi %convert_element_type3A_942, %add3A_950 : vector<16xi32>
      %min3A_952 = arith.constant 511 : i32
      %min3A_953 = vector.broadcast %min3A_952 : i32 to vector<16xi32>
      %min3A_954 = arith.minsi %add3A_951, %min3A_953 : vector<16xi32>
      %convert_element_type3A_955 = arith.sitofp %max3A_948 : vector<16xi32> to vector<16xf32>
      %mul3A_956 = arith.constant 7.000000e+00 : f32
      %mul3A_957 = vector.broadcast %mul3A_956 : f32 to vector<16xf32>
      %mul3A_958 = arith.mulf %convert_element_type3A_955, %mul3A_957 : vector<16xf32>
      %sub3A_959 = arith.subf %mul3A_929, %mul3A_958 : vector<16xf32>
      %abs3A_960 = math.absf %sub3A_959 : vector<16xf32>
      %convert_element_type3A_961 = arith.sitofp %convert_element_type3A_942 : vector<16xi32> to vector<16xf32>
      %mul3A_962 = arith.constant 7.000000e+00 : f32
      %mul3A_963 = vector.broadcast %mul3A_962 : f32 to vector<16xf32>
      %mul3A_964 = arith.mulf %convert_element_type3A_961, %mul3A_963 : vector<16xf32>
      %sub3A_965 = arith.subf %mul3A_929, %mul3A_964 : vector<16xf32>
      %abs3A_966 = math.absf %sub3A_965 : vector<16xf32>
      %convert_element_type3A_967 = arith.sitofp %min3A_954 : vector<16xi32> to vector<16xf32>
      %mul3A_968 = arith.constant 7.000000e+00 : f32
      %mul3A_969 = vector.broadcast %mul3A_968 : f32 to vector<16xf32>
      %mul3A_970 = arith.mulf %convert_element_type3A_967, %mul3A_969 : vector<16xf32>
      %sub3A_971 = arith.subf %mul3A_929, %mul3A_970 : vector<16xf32>
      %abs3A_972 = math.absf %sub3A_971 : vector<16xf32>
      %lt3A_973 = arith.cmpf olt, %abs3A_966, %abs3A_960 : vector<16xf32>
      %select_n3A_974 = arith.select %lt3A_973, %convert_element_type3A_942, %max3A_948 : vector<16xi1>, vector<16xi32>
      %select_n3A_975 = arith.select %lt3A_973, %abs3A_966, %abs3A_960 : vector<16xi1>, vector<16xf32>
      %lt3A_976 = arith.cmpf olt, %abs3A_972, %select_n3A_975 : vector<16xf32>
      %select_n3A_977 = arith.select %lt3A_976, %min3A_954, %select_n3A_974 : vector<16xi1>, vector<16xi32>
      %convert_element_type3A_978 = arith.sitofp %select_n3A_977 : vector<16xi32> to vector<16xf32>
      %mul3A_979 = arith.constant 7.000000e+00 : f32
      %mul3A_980 = vector.broadcast %mul3A_979 : f32 to vector<16xf32>
      %mul3A_981 = arith.mulf %convert_element_type3A_978, %mul3A_980 : vector<16xf32>
      %swap3A_982 = arith.constant 192 : index
      %swap3A_983 = tpu.vector_load %arg5[%swap3A_982] {strides = array<i32>} : memref<224xf32, #tpu.memory_space<vmem>>, vector<16xf32>,
      %swap3A_984 = vector.shape_cast %swap3A_983 : vector<16xf32> to vector<16xf32>
      %swap3A_985 = vector.shape_cast %mul3A_981 : vector<16xf32> to vector<16xf32>
      tpu.vector_store %arg5[%swap3A_982], %swap3A_985 {strides = array<i32>} : memref<224xf32, #tpu.memory_space<vmem>>, vector<16xf32>,
      %div3A_986 = vector.broadcast %sub3A : f32 to vector<16xf32>
      %div3A_987 = arith.divf %get3A_43, %div3A_986 : vector<16xf32>
      %mul3A_988 = arith.constant 7.000000e+00 : f32
      %mul3A_989 = vector.broadcast %mul3A_988 : f32 to vector<16xf32>
      %mul3A_990 = arith.mulf %div3A_987, %mul3A_989 : vector<16xf32>
      %mul3A_991 = arith.constant 5.120000e+02 : f32
      %mul3A_992 = vector.broadcast %mul3A_991 : f32 to vector<16xf32>
      %mul3A_993 = arith.mulf %mul3A_990, %mul3A_992 : vector<16xf32>
      %div3A_994 = arith.constant 7.000000e+00 : f32
      %div3A_995 = vector.broadcast %div3A_994 : f32 to vector<16xf32>
      %div3A_996 = arith.divf %mul3A_993, %div3A_995 : vector<16xf32>
      %add3A_997 = arith.constant 5.000000e-01 : f32
      %add3A_998 = vector.broadcast %add3A_997 : f32 to vector<16xf32>
      %add3A_999 = arith.addf %div3A_996, %add3A_998 : vector<16xf32>
      %jit3A_1000 = arith.constant 0.000000e+00 : f32
      %jit3A_1001 = arith.constant 5.110000e+02 : f32
      %max3A_1002 = vector.broadcast %jit3A_1000 : f32 to vector<16xf32>
      %max3A_1003 = arith.maximumf %max3A_1002, %add3A_999 : vector<16xf32>
      %min3A_1004 = vector.broadcast %jit3A_1001 : f32 to vector<16xf32>
      %min3A_1005 = arith.minimumf %min3A_1004, %max3A_1003 : vector<16xf32>
      %convert_element_type3A_1006 = arith.fptosi %min3A_1005 : vector<16xf32> to vector<16xi32>
      %sub3A_1007 = arith.constant 1 : i32
      %sub3A_1008 = vector.broadcast %sub3A_1007 : i32 to vector<16xi32>
      %sub3A_1009 = arith.subi %convert_element_type3A_1006, %sub3A_1008 : vector<16xi32>
      %max3A_1010 = arith.constant 0 : i32
      %max3A_1011 = vector.broadcast %max3A_1010 : i32 to vector<16xi32>
      %max3A_1012 = arith.maxsi %sub3A_1009, %max3A_1011 : vector<16xi32>
      %add3A_1013 = arith.constant 1 : i32
      %add3A_1014 = vector.broadcast %add3A_1013 : i32 to vector<16xi32>
      %add3A_1015 = arith.addi %convert_element_type3A_1006, %add3A_1014 : vector<16xi32>
      %min3A_1016 = arith.constant 511 : i32
      %min3A_1017 = vector.broadcast %min3A_1016 : i32 to vector<16xi32>
      %min3A_1018 = arith.minsi %add3A_1015, %min3A_1017 : vector<16xi32>
      %convert_element_type3A_1019 = arith.sitofp %max3A_1012 : vector<16xi32> to vector<16xf32>
      %mul3A_1020 = arith.constant 7.000000e+00 : f32
      %mul3A_1021 = vector.broadcast %mul3A_1020 : f32 to vector<16xf32>
      %mul3A_1022 = arith.mulf %convert_element_type3A_1019, %mul3A_1021 : vector<16xf32>
      %sub3A_1023 = arith.subf %mul3A_993, %mul3A_1022 : vector<16xf32>
      %abs3A_1024 = math.absf %sub3A_1023 : vector<16xf32>
      %convert_element_type3A_1025 = arith.sitofp %convert_element_type3A_1006 : vector<16xi32> to vector<16xf32>
      %mul3A_1026 = arith.constant 7.000000e+00 : f32
      %mul3A_1027 = vector.broadcast %mul3A_1026 : f32 to vector<16xf32>
      %mul3A_1028 = arith.mulf %convert_element_type3A_1025, %mul3A_1027 : vector<16xf32>
      %sub3A_1029 = arith.subf %mul3A_993, %mul3A_1028 : vector<16xf32>
      %abs3A_1030 = math.absf %sub3A_1029 : vector<16xf32>
      %convert_element_type3A_1031 = arith.sitofp %min3A_1018 : vector<16xi32> to vector<16xf32>
      %mul3A_1032 = arith.constant 7.000000e+00 : f32
      %mul3A_1033 = vector.broadcast %mul3A_1032 : f32 to vector<16xf32>
      %mul3A_1034 = arith.mulf %convert_element_type3A_1031, %mul3A_1033 : vector<16xf32>
      %sub3A_1035 = arith.subf %mul3A_993, %mul3A_1034 : vector<16xf32>
      %abs3A_1036 = math.absf %sub3A_1035 : vector<16xf32>
      %lt3A_1037 = arith.cmpf olt, %abs3A_1030, %abs3A_1024 : vector<16xf32>
      %select_n3A_1038 = arith.select %lt3A_1037, %convert_element_type3A_1006, %max3A_1012 : vector<16xi1>, vector<16xi32>
      %select_n3A_1039 = arith.select %lt3A_1037, %abs3A_1030, %abs3A_1024 : vector<16xi1>, vector<16xf32>
      %lt3A_1040 = arith.cmpf olt, %abs3A_1036, %select_n3A_1039 : vector<16xf32>
      %select_n3A_1041 = arith.select %lt3A_1040, %min3A_1018, %select_n3A_1038 : vector<16xi1>, vector<16xi32>
      %convert_element_type3A_1042 = arith.sitofp %select_n3A_1041 : vector<16xi32> to vector<16xf32>
      %mul3A_1043 = arith.constant 7.000000e+00 : f32
      %mul3A_1044 = vector.broadcast %mul3A_1043 : f32 to vector<16xf32>
      %mul3A_1045 = arith.mulf %convert_element_type3A_1042, %mul3A_1044 : vector<16xf32>
      %swap3A_1046 = arith.constant 208 : index
      %swap3A_1047 = tpu.vector_load %arg5[%swap3A_1046] {strides = array<i32>} : memref<224xf32, #tpu.memory_space<vmem>>, vector<16xf32>,
      %swap3A_1048 = vector.shape_cast %swap3A_1047 : vector<16xf32> to vector<16xf32>
      %swap3A_1049 = vector.shape_cast %mul3A_1045 : vector<16xf32> to vector<16xf32>
      tpu.vector_store %arg5[%swap3A_1046], %swap3A_1049 {strides = array<i32>} : memref<224xf32, #tpu.memory_space<vmem>>, vector<16xf32>,
      "tpu.region"() ({
        %run_scoped3A = tpu.sem_alloc : memref<!tpu.dma_semaphore, #tpu.memory_space<semaphore_mem>>
        tpu.enqueue_dma source(%arg5 : memref<224xf32, #tpu.memory_space<vmem>>) target(%arg3 : memref<224xf32, #tpu.memory_space<hbm>>) target_semaphore(%run_scoped3A : memref<!tpu.dma_semaphore, #tpu.memory_space<semaphore_mem>>)
        tpu.wait_dma2 semaphore(%run_scoped3A : memref<!tpu.dma_semaphore, #tpu.memory_space<semaphore_mem>>) src(%arg5 : memref<224xf32, #tpu.memory_space<vmem>>) dst(%arg3 : memref<224xf32, #tpu.memory_space<hbm>>)
        tpu.yield
      }) : () -> ()
    } else {
    }
    return
  }
}

module attributes {stable_mosaic.version = 14 : i64} {
  func.func @_bcast_body(%arg0: i32, %arg1: memref<224x1xf32, #tpu.memory_space<vmem>>, %arg2: memref<2xf32, #tpu.memory_space<smem>>, %arg3: memref<24x224x224xf32, #tpu.memory_space<vmem>>, %arg4: memref<224x1xf32, #tpu.memory_space<vmem>>) attributes {dimension_semantics = [#tpu.dimension_semantics<arbitrary>], iteration_bounds = array<i64: 16>, scalar_prefetch = 0 : i64, scratch_operands = 1 : i64, tpu.core_type = #tpu.core_type<tc>, window_params = [{pipeline_mode = #tpu.pipeline_mode<synchronous>, transform_indices = @transform_0, window_bounds = array<i64: 224, 1>}, {transform_indices = @transform_1, window_bounds = array<i64: 2>}, {transform_indices = @transform_2, window_bounds = array<i64: 24, 224, 224>}]} {
    %eq3A = arith.constant 0 : i32
    %eq3A_0 = arith.cmpi eq, %arg0, %eq3A : i32
    %convert_element_type3A = arith.extui %eq3A_0 : i1 to i32
    %cond3A = arith.constant 0 : i32
    %cond3A_1 = arith.cmpi ne, %convert_element_type3A, %cond3A : i32
    scf.if %cond3A_1 {
      %get3A_9 = arith.constant 1 : index
      %get3A_10 = memref.load %arg2[%get3A_9] : memref<2xf32, #tpu.memory_space<smem>>
      %get3A_11 = arith.constant 0 : index
      %get3A_12 = memref.load %arg2[%get3A_11] : memref<2xf32, #tpu.memory_space<smem>>
      %sub3A = arith.subf %get3A_10, %get3A_12 : f32
      %convert_element_type3A_13 = arith.fptosi %sub3A : f32 to i32
      %add3A = arith.constant 1 : i32
      %add3A_14 = arith.addi %convert_element_type3A_13, %add3A : i32
      %iota3A = tpu.iota {dimensions = array<i32: 0>} : vector<224x1xi32>
      %lt3A = vector.broadcast %add3A_14 : i32 to vector<224x1xi32>
      %lt3A_15 = arith.cmpi slt, %iota3A, %lt3A : vector<224x1xi32>
      %get3A_16 = arith.constant 0 : index
      %get3A_17 = arith.constant 0 : index
      %get3A_18 = vector.load %arg1[%get3A_16, %get3A_17] : memref<224x1xf32, #tpu.memory_space<vmem>>, vector<224x1xf32>
      %jit3A = arith.constant 0.000000e+00 : f32
      %broadcast_in_dim3A_19 = vector.broadcast %jit3A : f32 to vector<224x1xf32>
      %select_n3A = arith.select %lt3A_15, %get3A_18, %broadcast_in_dim3A_19 : vector<224x1xi1>, vector<224x1xf32>
      %swap3A_20 = arith.constant 0 : index
      %swap3A_21 = arith.constant 0 : index
      %swap3A_22 = vector.load %arg4[%swap3A_20, %swap3A_21] : memref<224x1xf32, #tpu.memory_space<vmem>>, vector<224x1xf32>
      tpu.vector_store %arg4[%swap3A_20, %swap3A_21], %select_n3A {strides = array<i32>} : memref<224x1xf32, #tpu.memory_space<vmem>>, vector<224x1xf32>,
    } else {
    }
    %get3A = arith.constant 0 : index
    %get3A_2 = arith.constant 0 : index
    %get3A_3 = vector.load %arg4[%get3A, %get3A_2] : memref<224x1xf32, #tpu.memory_space<vmem>>, vector<224x1xf32>
    %broadcast_in_dim3A = vector.shape_cast %get3A_3 : vector<224x1xf32> to vector<1x224x1xf32>
    %broadcast_in_dim3A_4 = vector.shape_cast %broadcast_in_dim3A : vector<1x224x1xf32> to vector<1x224x1xf32>
    %broadcast_in_dim3A_5 = vector.broadcast %broadcast_in_dim3A_4 : vector<1x224x1xf32> to vector<24x224x224xf32>
    %swap3A = arith.constant 0 : index
    %swap3A_6 = arith.constant 0 : index
    %swap3A_7 = arith.constant 0 : index
    %swap3A_8 = vector.load %arg3[%swap3A, %swap3A_6, %swap3A_7] : memref<24x224x224xf32, #tpu.memory_space<vmem>>, vector<24x224x224xf32>
    tpu.vector_store %arg3[%swap3A, %swap3A_6, %swap3A_7], %broadcast_in_dim3A_5 {strides = array<i32>} : memref<24x224x224xf32, #tpu.memory_space<vmem>>, vector<24x224x224xf32>,
    return
  }
  func.func @transform_0(%arg0: i32) -> (i32, i32) {
    %c0_i32 = arith.constant 0 : i32
    %c0_i32_0 = arith.constant 0 : i32
    %c0_i32_1 = arith.constant 0 : i32
    return %c0_i32, %c0_i32_0 : i32, i32
  }
  func.func @transform_1(%arg0: i32) -> i32 {
    %c0_i32 = arith.constant 0 : i32
    %c0_i32_0 = arith.constant 0 : i32
    return %c0_i32 : i32
  }
  func.func @transform_2(%arg0: i32) -> (i32, i32, i32) {
    %c0_i32 = arith.constant 0 : i32
    %c0_i32_0 = arith.constant 0 : i32
    %c0_i32_1 = arith.constant 0 : i32
    return %arg0, %c0_i32, %c0_i32_0 : i32, i32, i32
  }
}

module attributes {stable_mosaic.version = 14 : i64} {
  func.func @_minmax_body(%arg0: i32, %arg1: memref<24x224x224xf32, #tpu.memory_space<vmem>>, %arg2: memref<2xf32, #tpu.memory_space<smem>>) attributes {dimension_semantics = [#tpu.dimension_semantics<arbitrary>], iteration_bounds = array<i64: 16>, scalar_prefetch = 0 : i64, scratch_operands = 0 : i64, tpu.core_type = #tpu.core_type<tc>, window_params = [{transform_indices = @transform_0, window_bounds = array<i64: 24, 224, 224>}, {transform_indices = @transform_1, window_bounds = array<i64: 2>}]} {
    %get3A = arith.constant 0 : index
    %get3A_0 = arith.constant 0 : index
    %get3A_1 = arith.constant 0 : index
    %get3A_2 = vector.load %arg1[%get3A, %get3A_0, %get3A_1] : memref<24x224x224xf32, #tpu.memory_space<vmem>>, vector<24x224x224xf32>
    %reduce_min3A = vector.shape_cast %get3A_2 : vector<24x224x224xf32> to vector<1x24x224x224xf32>
    %reduce_min3A_3 = arith.constant dense<0x7F800000> : vector<1xf32>
    %reduce_min3A_4 = vector.multi_reduction <minimumf>, %reduce_min3A, %reduce_min3A_3 [1, 2, 3] : vector<1x24x224x224xf32> to vector<1xf32>
    %reduce_min3A_5 = vector.shape_cast %reduce_min3A_4 : vector<1xf32> to vector<1x1x1x1xf32>
    %reduce_min3A_6 = vector.extract %reduce_min3A_5[0, 0, 0, 0] : f32 from vector<1x1x1x1xf32>
    %get3A_7 = arith.constant 0 : index
    %get3A_8 = arith.constant 0 : index
    %get3A_9 = arith.constant 0 : index
    %get3A_10 = vector.load %arg1[%get3A_7, %get3A_8, %get3A_9] : memref<24x224x224xf32, #tpu.memory_space<vmem>>, vector<24x224x224xf32>
    %reduce_max3A = vector.shape_cast %get3A_10 : vector<24x224x224xf32> to vector<1x24x224x224xf32>
    %reduce_max3A_11 = arith.constant dense<0xFF800000> : vector<1xf32>
    %reduce_max3A_12 = vector.multi_reduction <maximumf>, %reduce_max3A, %reduce_max3A_11 [1, 2, 3] : vector<1x24x224x224xf32> to vector<1xf32>
    %reduce_max3A_13 = vector.shape_cast %reduce_max3A_12 : vector<1xf32> to vector<1x1x1x1xf32>
    %reduce_max3A_14 = vector.extract %reduce_max3A_13[0, 0, 0, 0] : f32 from vector<1x1x1x1xf32>
    %eq3A = arith.constant 0 : i32
    %eq3A_15 = arith.cmpi eq, %arg0, %eq3A : i32
    %convert_element_type3A = arith.extui %eq3A_15 : i1 to i32
    %cond3A = arith.constant 0 : i32
    %cond3A_16 = arith.cmpi ne, %convert_element_type3A, %cond3A : i32
    scf.if %cond3A_16 {
      %swap3A = arith.constant 0 : index
      %swap3A_21 = memref.load %arg2[%swap3A] : memref<2xf32, #tpu.memory_space<smem>>
      memref.store %reduce_min3A_6, %arg2[%swap3A] : memref<2xf32, #tpu.memory_space<smem>>
      %swap3A_22 = arith.constant 1 : index
      %swap3A_23 = memref.load %arg2[%swap3A_22] : memref<2xf32, #tpu.memory_space<smem>>
      memref.store %reduce_max3A_14, %arg2[%swap3A_22] : memref<2xf32, #tpu.memory_space<smem>>
    } else {
    }
    %gt3A = arith.constant 0 : i32
    %gt3A_17 = arith.cmpi sgt, %arg0, %gt3A : i32
    %convert_element_type3A_18 = arith.extui %gt3A_17 : i1 to i32
    %cond3A_19 = arith.constant 0 : i32
    %cond3A_20 = arith.cmpi ne, %convert_element_type3A_18, %cond3A_19 : i32
    scf.if %cond3A_20 {
      %get3A_21 = arith.constant 0 : index
      %get3A_22 = memref.load %arg2[%get3A_21] : memref<2xf32, #tpu.memory_space<smem>>
      %min3A = arith.minimumf %get3A_22, %reduce_min3A_6 : f32
      %swap3A = arith.constant 0 : index
      %swap3A_23 = memref.load %arg2[%swap3A] : memref<2xf32, #tpu.memory_space<smem>>
      memref.store %min3A, %arg2[%swap3A] : memref<2xf32, #tpu.memory_space<smem>>
      %get3A_24 = arith.constant 1 : index
      %get3A_25 = memref.load %arg2[%get3A_24] : memref<2xf32, #tpu.memory_space<smem>>
      %max3A = arith.maximumf %get3A_25, %reduce_max3A_14 : f32
      %swap3A_26 = arith.constant 1 : index
      %swap3A_27 = memref.load %arg2[%swap3A_26] : memref<2xf32, #tpu.memory_space<smem>>
      memref.store %max3A, %arg2[%swap3A_26] : memref<2xf32, #tpu.memory_space<smem>>
    } else {
    }
    return
  }
  func.func @transform_0(%arg0: i32) -> (i32, i32, i32) {
    %c0_i32 = arith.constant 0 : i32
    %c0_i32_0 = arith.constant 0 : i32
    %c0_i32_1 = arith.constant 0 : i32
    return %arg0, %c0_i32, %c0_i32_0 : i32, i32, i32
  }
  func.func @transform_1(%arg0: i32) -> i32 {
    %c0_i32 = arith.constant 0 : i32
    %c0_i32_0 = arith.constant 0 : i32
    return %c0_i32 : i32
  }
}

</mosaic_0001>

<sc_bundles>
// kernel: kernel.5.cloned.1.call-start
scs
__scs_entry_jumppad:
0x0: {  	(pc) =	sbr.rel $0x88, $3  }
0x1: {  	(tag) =	ssettag $0x0;
	lr =	simm.s32 $0x1  }
0x2: {  	[smem:$0x3F9F] =	sst lr;
	_ =	strace $0xD0000000  }
0x3: {  	_ = 	snop  }
0x4: {  	_ = 	snop  }
0x5: {  	_ = 	snop  }
0x6: {  	_ = 	snop  }
0x7: {  	_ = 	snop  }
__scs_overlays_trampoline_lowered:
0x8: {  	[smem:$0x3FAE] =	sst s0  }
0x9: {  	[smem:$0x3FAF] =	sst s1  }
0xa: {  	[smem:$0x3FB0] =	sst s2  }
0xb: {  	[smem:$0x3FB1] =	sst s3  }
0xc: {  	[smem:$0x3FB2] =	sst s4  }
0xd: {  	[smem:$0x3FB3] =	sst s5  }
0xe: {  	[smem:$0x3FB4] =	sst s6  }
0xf: {  	[smem:$0x3FB5] =	sst s7  }
0x10: {  	[smem:$0x3FB6] =	sst s8  }
0x11: {  	[smem:$0x3FB7] =	sst s9;
	s0 =	simm.s32 @!p0 $0x0  }
0x12: {  	s1 =	sld [smem:$0x3F9D];
	s0 =	simm.s32 @p0 $0x1  }
0x13: {  	[smem:$0x3FB8] =	sst s0;
	s0 =	simm.s32 @!p1 $0x0  }
0x14: {  	s2 =	sld [smem:$0x3F9C];
	s0 =	simm.s32 @p1 $0x1  }
0x15: {  	[smem:$0x3FB9] =	sst s0;
	s0 =	simm.s32 @!p2 $0x0  }
0x16: {  	s3 =	sld [smem:$0x3FDB];
	s0 =	simm.s32 @p2 $0x1  }
0x17: {  	s4 =	simm.s32 $0x1BF5;
	[smem:$0x3FBB] =	sst s0  }
0x18: {  	s0 =	sld [smem:$0x3F9E];
	_ =	swait.ge [sflag:s4], $0x0  }
0x19: {  	s7 =	sld [smem:$0x3F9F]  }
0x1a: {  	s8 =	sadd.s32 $0xFFFFE003, lr  }
0x1b: {  	s9 =	sadd.s32 $0xFFFFFEF7, lr;
	s5 =	simm.s32 $0xFFFFFFFF;
	p2 =	slt.u32 s8, $0xFFFFF086  }
0x1c: {  	p1 =	slt.u32 s9, $0xF7A;
	s5 =	simm.s32 @!p2 $0x0  }
0x1d: {  	s5 =	simm.s32 @p1 $0x1;
	p0 =	seq.s32 s7, s2  }
0x1e: {  	s7 =	smul.u32 @!p0 $0xF7A, s2;
	p2 =	seq.s32 @!p0 s5, $0x0  }
0x1f: {  	s9 =	smul.u32 $0xF7A, s1;
	s8 =	simm.s32 @!p0 $0x1BF5;
	p2 =	por !p2, p0  }
0x20: {  	[sflag:s8] =	ssyncset.s32 @!p0 $0xFFFFF086;
	s6 =	sadd.s32 @!p0 s3, s7;
	s7 =	simm.s32 @!p0 $0x108  }
0x21: {  	s3 =	sadd.s32 s3, s9;
	s6 =	sadd.s32 @!p0 $0x88, s6;
	s7 =	simm.s32 @p2 $0x1082  }
0x22: {  	[simem:s7], [sflag:s8] =	dma.local @!p0 [hbm:s6], $0xF7A  }
0x23: {  	s9 =	sor.u32 $0xD0000000, s2;
	s6 =	simm.s32 $0x108;
	_ =	swait.ge @!p0 [sflag:s8], $0x0  }
0x24: {  	s3 =	sadd.s32 $0x88, s3;
	s6 =	simm.s32 @!p1 $0x1082;
	[sflag:s4] =	ssyncset.s32 $0xFFFFF086  }
0x25: {  	[simem:s6], [sflag:s4] =	dma.local [hbm:s3], $0xF7A  }
0x26: {  	[smem:$0x3F9F] =	sst s1;
	(tag) =	ssettag s2;
	_ =	strace s9  }
0x27: {  	s1 =	sld [smem:$0x3FAF]  }
0x28: {  	s2 =	sld [smem:$0x3FB0]  }
0x29: {  	s4 =	sld [smem:$0x3FB2]  }
0x2a: {  	p0 =	seq.s32 s5, $0x0;
	s5 =	sld [smem:$0x3FB3]  }
0x2b: {  	s6 =	sld [smem:$0x3FB4]  }
0x2c: {  	s7 =	sld [smem:$0x3FB5]  }
0x2d: {  	s3 =	simm.s32 $0x108;
	s8 =	sld [smem:$0x3FB6]  }
0x2e: {  	s3 =	simm.s32 @!p0 $0x1082;
	s9 =	sld [smem:$0x3FB7]  }
0x2f: {  	lr =	sadd.s32 s0, s3;
	s0 =	sld [smem:$0x3FAE]  }
0x30: {  	s3 =	sld [smem:$0x3FB1]  }
0x31: {  	[smem:$0x3FBA] =	sst s10  }
0x32: {  	s10 =	sld [smem:$0x3FB8];
	_ =	sdelay $0x3  }
0x33: {  	p0 =	seq.s32 s10, $0x1;
	s10 =	sld [smem:$0x3FBA];
	_ =	sdelay $0x3  }
0x34: {  	[smem:$0x3FBA] =	sst s10  }
0x35: {  	s10 =	sld [smem:$0x3FB9];
	_ =	sdelay $0x3  }
0x36: {  	p1 =	seq.s32 s10, $0x1;
	s10 =	sld [smem:$0x3FBA];
	_ =	sdelay $0x3  }
0x37: {  	[smem:$0x3FBA] =	sst s10  }
0x38: {  	s10 =	sld [smem:$0x3FBB]  }
0x39: {  	_ = 	snop;
	(pc) =	sbr.ind lr, $3  }
0x3a: {  	_ = 	snop  }
0x3b: {  	_ = 	snop  }
0x3c: {  	p2 =	seq.s32 s10, $0x1;
	s10 =	sld [smem:$0x3FBA]  }
0x3d: {  	_ =	shalt  }
0x3e: {  	_ =	shalt  }
0x3f: {  	_ =	shalt  }
0x40: {  	_ =	shalt  }
0x41: {  	_ =	shalt  }
0x42: {  	_ =	shalt  }
0x43: {  	_ =	shalt  }
0x44: {  	_ =	shalt  }
0x45: {  	_ =	shalt  }
0x46: {  	_ =	shalt  }
0x47: {  	_ =	shalt  }
0x48: {  	_ =	shalt  }
0x49: {  	_ =	shalt  }
0x4a: {  	_ =	shalt  }
0x4b: {  	_ =	shalt  }
0x4c: {  	_ =	shalt  }
0x4d: {  	_ =	shalt  }
0x4e: {  	_ =	shalt  }
0x4f: {  	_ =	shalt  }
0x50: {  	_ =	shalt  }
0x51: {  	_ =	shalt  }
0x52: {  	_ =	shalt  }
0x53: {  	_ =	shalt  }
0x54: {  	_ =	shalt  }
0x55: {  	_ =	shalt  }
0x56: {  	_ =	shalt  }
0x57: {  	_ =	shalt  }
0x58: {  	_ =	shalt  }
0x59: {  	_ =	shalt  }
0x5a: {  	_ =	shalt  }
0x5b: {  	_ =	shalt  }
0x5c: {  	_ =	shalt  }
0x5d: {  	_ =	shalt  }
0x5e: {  	_ =	shalt  }
0x5f: {  	_ =	shalt  }
0x60: {  	_ =	shalt  }
0x61: {  	_ =	shalt  }
0x62: {  	_ =	shalt  }
0x63: {  	_ =	shalt  }
0x64: {  	_ =	shalt  }
0x65: {  	_ =	shalt  }
0x66: {  	_ =	shalt  }
0x67: {  	_ =	shalt  }
0x68: {  	_ =	shalt  }
0x69: {  	_ =	shalt  }
0x6a: {  	_ =	shalt  }
0x6b: {  	_ =	shalt  }
0x6c: {  	_ =	shalt  }
0x6d: {  	_ =	shalt  }
0x6e: {  	_ =	shalt  }
0x6f: {  	_ =	shalt  }
0x70: {  	_ =	shalt  }
0x71: {  	_ =	shalt  }
0x72: {  	_ =	shalt  }
0x73: {  	_ =	shalt  }
0x74: {  	_ =	shalt  }
0x75: {  	_ =	shalt  }
0x76: {  	_ =	shalt  }
0x77: {  	_ =	shalt  }
0x78: {  	_ =	shalt  }
0x79: {  	_ =	shalt  }
0x7a: {  	_ =	shalt  }
0x7b: {  	_ =	shalt  }
0x7c: {  	_ =	shalt  }
0x7d: {  	_ =	shalt  }
0x7e: {  	_ =	shalt  }
0x7f: {  	_ =	shalt  }
0x80: {  	_ =	shalt  }
0x81: {  	_ =	shalt  }
0x82: {  	_ =	shalt  }
0x83: {  	_ =	shalt  }
0x84: {  	_ =	shalt  }
0x85: {  	_ =	shalt  }
0x86: {  	_ =	shalt  }
0x87: {  	_ =	shalt  }
.Lfunc_end0:
.L_simem_size_0:
called_computation_lowered:
.L_overlay_start_0:
0x88: {  	s2 =	sld [smem:$0x3FD9]  }
0x89: {  	s3 =	sld [smem:$0x3FFE];
	_ =	sdelay $0x1  }
0x8a: {  	s1 =	srdreg.scid  }
0x8b: {  	s0 =	sand.u32 $0x1, s1  }
0x8c: {  	s18 =	sshll.u32 s0, $0xA;
	s2 =	sadd.s32 s3, s2  }
0x8d: {  	s2 =	sadd.s32 s2, s18  }
0x8e: {  	[smem:$0x3FC6] =	sst s2  }
0x8f: {  	_ = 	snop  }
0x90: {  	s2 =	sld [smem:$0x3FC8]  }
0x91: {  	s19 =	sld [smem:$0x3FD0];
	(tm) =	ssettm $0x1  }
0x92: {  	s4 =	sld [smem:$0x3FFB];
	_ =	sdelay $0x3  }
0x93: {  	_ =	strace s4  }
0x94: {  	s4 =	sld [smem:$0x3FFC];
	_ =	sdelay $0x3  }
0x95: {  	_ =	strace s4  }
0x96: {  	s4 =	sld [smem:$0x3FFD];
	_ =	sdelay $0x3  }
0x97: {  	_ =	strace s4  }
0x98: {  	_ =	strace $0x8FFFFFFF  }
0x99: {  	s20 =	sld [smem:$0x3FDB];
	_ =	sdelay $0x1  }
0x9a: {  	s5 =	simm.s32 $_scs_section_size  }
0x9b: {  	s6 =	simm.s32 $_size__tile_overlayer_lowered;
	s7 =	simm.s32 $_tile_overlayer_lowered  }
0x9c: {  	s23 =	simm.s32 $0x1BFF;
	s22 =	sshll.u32 s7, $0x1;
	s4 =	sadd.s32 s5, s20  }
0x9d: {  	s8 =	simm.s32 $0x0;
	s21 =	sshll.u32 s6, $0x1;
	s6 =	sadd.s32 s22, s4  }
0x9e: {  	[timem:s8], [sflag:s23] =	dma.local [hbm:s6], s21  }
0x9f: {  	_ =	swait.ge [sflag:s23], s21  }
0xa0: {  	s5 =	ssub.s32 $0x0, s21;
	[sflag:s23] =	ssyncset.done $0x0  }
0xa1: {  	[sflag:s23] =	ssyncadd.s32 s5;
	_ =	sdelay $0x1  }
0xa2: {  	s24 =	simm.s32 $0x1B8B  }
0xa3: {  	_ =	swait.ge [sflag:s24], $0x1  }
0xa4: {  	[sflag:s24] =	ssyncset.done $0x0  }
0xa5: {  	s25 =	simm.s32 $0x1B8E;
	[sflag:s24] =	ssyncadd.s32 $0xFFFFFFFF  }
0xa6: {  	s26 =	simm.s32 $execute0_lowered;
	[smem:$0x3FD2] =	sst s25  }
0xa7: {  	s5 =	sshll.u32 s26, $0x1;
	_ =	strace $0x80000046;
	[dreg:$0x1] =	wrdreg $0xFFFFFFFF  }
0xa8: {  	s28 =	simm.s32 $_size_execute0_lowered;
	s4 =	sadd.s32 s4, s5;
	[dreg:$0x0] =	wrdreg $0x0  }
0xa9: {  	s5 =	sshll.u32 s28, $0x1;
	[dreg:$0x2] =	wrdreg s4  }
0xaa: {  	[dreg:$0x3] =	wrdreg s5  }
0xab: {  	[dreg:$0x4] =	wrdreg $0xC0  }
0xac: {  	_ =	task [dreg:s8], $0x5FFFF  }
0xad: {  	[dreg:$0x1] =	wrdreg $0xFFFFFFFF  }
0xae: {  	[dreg:$0x0] =	wrdreg $0x60  }
0xaf: {  	[dreg:$0x2] =	wrdreg s2  }
0xb0: {  	[dreg:$0x3] =	wrdreg s19  }
0xb1: {  	[dreg:$0x4] =	wrdreg $0x9  }
0xb2: {  	_ =	task.clear_ibuf [dreg:s8], $0x5FFFF;
	_ =	strace $0x90000046  }
0xb3: {  	s29 =	simm.s32 $0x9;
	_ =	strace $0x80000048  }
0xb4: {  	_ =	swait.ge [sflag:s29], $0x1  }
0xb5: {  	[sflag:s29] =	ssyncadd.s32 $0xFFFFFFFF  }
0xb6: {  	_ =	strace $0x90000048  }
0xb7: {  	_ =	sfence  }
0xb8: {  	s30 =	sld [smem:$0x0];
	_ =	sdelay $0x2  }
0xb9: {  	s31 =	sshll.u32 s1, $0xD;
	s1 =	sshrl.u32 s1, $0x2  }
0xba: {  	s3 =	sand.u32 $0x4000, s31;
	s1 =	sadd.s32 s1, s30  }
0xbb: {  	s0 =	sor.u32 s3, s0;
	s1 =	sshll.u32 s1, $0x11  }
0xbc: {  	s0 =	sor.u32 s1, s0  }
0xbd: {  	s0 =	sadd.s32 $0x8F2B, s0  }
0xbe: {  	[sflag:s0] =	ssyncadd.remote.s32 $0x1  }
0xbf: {  	_ =	sfence.sel $0xFFFF  }
0xc0: {  	[dreg:$0x0] =	wrdreg $0xFFFFFFFF;
	(pc) =	sbr.abs _section_cstart, $3  }
0xc1: {  	[dreg:$0x1] =	wrdreg $0xFFFFFFFF  }
0xc2: {  	_ =	task.clear_ibuf [dreg:s8], $0x2FFFF;
	_ =	strace $0x9FFFFFFF  }
0xc3: {  	(tm) =	ssettm $0x7FFFFFFF  }
tec
execute0_lowered:
.L_overlay_start_1:
0x0: {  	(tag) =	ssettag $0x1  }
0x1: {  	s0 =	rddreg [dreg:$0x0]  }
0x2: {  	s31 =	rddreg [dreg:$0x1]  }
0x3: {  	[dreg:$0x3] =	wrdreg s0  }
0x4: {  	[dreg:$0x4] =	wrdreg s31  }
0x5: {  	v0 =	vimm.f32 $7.000000000e+00;
	s0 =	rddreg [dreg:$0x2];
	_ =	strace $0x80000047  }
0x6: {  	(erf) = vrcp.f32 v0  }
0x7: {  	s1 =	srdreg.scid  }
0x8: {  	s2 =	sand.u32 $0x1, s1;
	s1 =	stileid.u32  }
0x9: {  	s3 =	sshll.u32 s1, $0x1;
	s4 =	ssub.s32 $0x0, s2  }
0xa: {  	p0 =	sne.s32 s3, s4  }
.Ltmp0:
0xb: {  	_ = 	snop;
	(pc) =	sbr.rel @p0 .LBB2_3-.Ltmp0, $2  }
0xc: {  	_ =	sdelay $0x2  }
0xd: {  	v0 =	vpop (erf)  }
0xe: {  	s2 =	ssub.s32 $0x2, s2  }
0xf: {  	s3 =	sshrl.u32 s2, $0x1  }
0x10: {  	s5 =	simm.s32 $0x100;
	s4 =	simm.s32 $0x1;
	s2 =	ssub.s32 s2, s3  }
0x11: {  	[dreg:$0x5] =	wrdreg s5;
	s3 =	simm.s32 $0x0;
	s2 =	smax.u32 s2, $0x1  }
.LBB2_2:
0x12: {  	s5 =	rddreg [dreg:$0x3]  }
0x13: {  	[tilespmem:s3], [sflag:$0x1] =	stream.linear.gather [hbm4b:s5+s3], $0x100, $0x38;
	[tilespmem:$0x200] =	vst v63  }
0x14: {  	_ =	swait.ge [sflag:s4], $0x100  }
0x15: {  	[sflag:s4] =	ssyncset.done $0x0  }
0x16: {  	[sflag:s4] =	ssyncadd.s32 $0xFFFFFF00  }
0x17: {  	v15 =	vld [tilespmem:$0x0]  }
0x18: {  	v14 =	vld [tilespmem:$0x10]  }
0x19: {  	v13 =	vld [tilespmem:$0x20]  }
0x1a: {  	v7 =	vld [tilespmem:$0x30]  }
0x1b: {  	v11 =	vld [tilespmem:$0x40]  }
0x1c: {  	v10 =	vld [tilespmem:$0x50]  }
0x1d: {  	v12 =	vld [tilespmem:$0x60];
	v1 =	vmin.f32 v15, v14  }
0x1e: {  	v9 =	vld [tilespmem:$0x70];
	v1 =	vmin.f32 v1, v13  }
0x1f: {  	v8 =	vld [tilespmem:$0x80];
	v1 =	vmin.f32 v1, v7  }
0x20: {  	v5 =	vld [tilespmem:$0x90];
	v1 =	vmin.f32 v1, v11  }
0x21: {  	v4 =	vld [tilespmem:$0xA0];
	v1 =	vmin.f32 v1, v10  }
0x22: {  	v3 =	vld [tilespmem:$0xB0];
	v1 =	vmin.f32 v1, v12  }
0x23: {  	v2 =	vld [tilespmem:$0xC0];
	v6 =	vmin.f32 v1, v9  }
0x24: {  	v1 =	vld [tilespmem:$0xD0];
	v6 =	vmin.f32 v6, v8  }
0x25: {  	v6 =	vmin.f32 v6, v5  }
0x26: {  	v6 =	vmin.f32 v6, v4  }
0x27: {  	v6 =	vmin.f32 v6, v3  }
0x28: {  	v6 =	vmin.f32 v6, v2  }
0x29: {  	v6 =	vmin.f32 v6, v1  }
0x2a: {  	(v2sf) =	vpush v6, $0x0  }
0x2b: {  	(v2sf) =	vpush v6, $0x1  }
0x2c: {  	(v2sf) =	vpush v6, $0x2  }
0x2d: {  	v16 =	vmax.f32 v15, v14;
	(v2sf) =	vpush v6, $0x3  }
0x2e: {  	v16 =	vmax.f32 v16, v13;
	(v2sf) =	vpush v6, $0x4  }
0x2f: {  	v16 =	vmax.f32 v16, v7;
	(v2sf) =	vpush v6, $0x5  }
0x30: {  	v16 =	vmax.f32 v16, v11;
	(v2sf) =	vpush v6, $0x6  }
0x31: {  	v16 =	vmax.f32 v16, v10;
	(v2sf) =	vpush v6, $0x7  }
0x32: {  	v16 =	vmax.f32 v16, v12;
	(v2sf) =	vpush v6, $0x8  }
0x33: {  	v16 =	vmax.f32 v16, v9;
	(v2sf) =	vpush v6, $0x9  }
0x34: {  	v16 =	vmax.f32 v16, v8;
	(v2sf) =	vpush v6, $0xA  }
0x35: {  	v16 =	vmax.f32 v16, v5;
	(v2sf) =	vpush v6, $0xB  }
0x36: {  	v16 =	vmax.f32 v16, v4;
	(v2sf) =	vpush v6, $0xC  }
0x37: {  	v16 =	vmax.f32 v16, v3;
	(v2sf) =	vpush v6, $0xD  }
0x38: {  	v16 =	vmax.f32 v16, v2;
	(v2sf) =	vpush v6, $0xE  }
0x39: {  	v16 =	vmax.f32 v16, v1;
	s22 =	spop (v2sf);
	(v2sf) =	vpush v6, $0xF  }
0x3a: {  	s6 =	spop (v2sf);
	(v2sf) =	vpush v16, $0x0  }
0x3b: {  	s7 =	spop (v2sf);
	(v2sf) =	vpush v16, $0x1  }
0x3c: {  	s8 =	spop (v2sf);
	(v2sf) =	vpush v16, $0x2  }
0x3d: {  	s5 =	smin.f32 s22, s6;
	s23 =	spop (v2sf);
	(v2sf) =	vpush v16, $0x3  }
0x3e: {  	s5 =	smin.f32 s5, s7;
	s24 =	spop (v2sf);
	(v2sf) =	vpush v16, $0x4  }
0x3f: {  	s5 =	smin.f32 s5, s8;
	s25 =	spop (v2sf);
	(v2sf) =	vpush v16, $0x5  }
0x40: {  	s5 =	smin.f32 s5, s23;
	s26 =	spop (v2sf);
	(v2sf) =	vpush v16, $0x6  }
0x41: {  	s5 =	smin.f32 s5, s24;
	s28 =	spop (v2sf);
	(v2sf) =	vpush v16, $0x7  }
0x42: {  	s5 =	smin.f32 s5, s25;
	s29 =	spop (v2sf);
	(v2sf) =	vpush v16, $0x8  }
0x43: {  	s5 =	smin.f32 s5, s26;
	s30 =	spop (v2sf);
	(v2sf) =	vpush v16, $0x9  }
0x44: {  	s5 =	smin.f32 s5, s28;
	s31 =	spop (v2sf);
	(v2sf) =	vpush v16, $0xA  }
0x45: {  	s5 =	smin.f32 s5, s29;
	s9 =	spop (v2sf);
	(v2sf) =	vpush v16, $0xB  }
0x46: {  	s5 =	smin.f32 s5, s30;
	s10 =	spop (v2sf);
	(v2sf) =	vpush v16, $0xC  }
0x47: {  	s5 =	smin.f32 s5, s31;
	s11 =	spop (v2sf);
	(v2sf) =	vpush v16, $0xD  }
0x48: {  	s5 =	smin.f32 s5, s9;
	s12 =	spop (v2sf);
	(v2sf) =	vpush v16, $0xE  }
0x49: {  	s5 =	smin.f32 s5, s10;
	s13 =	spop (v2sf);
	(v2sf) =	vpush v16, $0xF  }
0x4a: {  	s5 =	smin.f32 s5, s11;
	s14 =	spop (v2sf)  }
0x4b: {  	s6 =	smax.f32 s13, s14;
	s15 =	spop (v2sf)  }
0x4c: {  	s6 =	smax.f32 s6, s15;
	s16 =	spop (v2sf)  }
0x4d: {  	s6 =	smax.f32 s6, s16;
	s17 =	spop (v2sf)  }
0x4e: {  	s6 =	smax.f32 s6, s17;
	s18 =	spop (v2sf)  }
0x4f: {  	s6 =	smax.f32 s6, s18;
	s19 =	spop (v2sf)  }
0x50: {  	s6 =	smax.f32 s6, s19;
	s20 =	spop (v2sf)  }
0x51: {  	s6 =	smax.f32 s6, s20;
	s21 =	spop (v2sf)  }
0x52: {  	s6 =	smax.f32 s6, s21;
	s22 =	spop (v2sf)  }
0x53: {  	s6 =	smax.f32 s6, s22;
	s23 =	spop (v2sf)  }
0x54: {  	s6 =	smax.f32 s6, s23;
	s24 =	spop (v2sf)  }
0x55: {  	s6 =	smax.f32 s6, s24;
	s25 =	spop (v2sf)  }
0x56: {  	s6 =	smax.f32 s6, s25;
	s26 =	spop (v2sf)  }
0x57: {  	s6 =	smax.f32 s6, s26;
	s28 =	spop (v2sf)  }
0x58: {  	s6 =	smax.f32 s6, s28;
	s29 =	spop (v2sf)  }
0x59: {  	s5 =	smin.f32 s5, s12;
	s6 =	smax.f32 s6, s29  }
0x5a: {  	s5 =	ssub.f32 s6, s5;
	_ =	sdelay $0x1  }
0x5b: {  	v28 =	vmov s5  }
0x5c: {  	(erf) = vrcp.f32 v28;
	_ =	sdelay $0x8  }
0x5d: {  	v6 =	vpop (erf)  }
0x5e: {  	v15 =	vmul.f32 v6, v15;
	v14 =	vmul.f32 v6, v14  }
0x5f: {  	v13 =	vmul.f32 v6, v13;
	v7 =	vmul.f32 v6, v7  }
0x60: {  	v11 =	vmul.f32 v6, v11;
	v10 =	vmul.f32 v6, v10  }
0x61: {  	v9 =	vmul.f32 v6, v9;
	v8 =	vmul.f32 v6, v8  }
0x62: {  	v5 =	vmul.f32 v6, v5;
	v4 =	vmul.f32 v6, v4  }
0x63: {  	v3 =	vmul.f32 v6, v3;
	v2 =	vmul.f32 v6, v2  }
0x64: {  	v1 =	vmul.f32 v6, v1;
	v15 =	vmul.f32 $7.000000000e+00, v15  }
0x65: {  	v14 =	vmul.f32 $7.000000000e+00, v14;
	v13 =	vmul.f32 $7.000000000e+00, v13  }
0x66: {  	v7 =	vmul.f32 $7.000000000e+00, v7;
	v11 =	vmul.f32 $7.000000000e+00, v11  }
0x67: {  	v10 =	vmul.f32 $7.000000000e+00, v10;
	v9 =	vmul.f32 $7.000000000e+00, v9  }
0x68: {  	v5 =	vmul.f32 $7.000000000e+00, v5;
	v15 =	vmul.f32 $5.120000000e+02, v15  }
0x69: {  	v4 =	vmul.f32 $7.000000000e+00, v4;
	v3 =	vmul.f32 $7.000000000e+00, v3  }
0x6a: {  	v2 =	vmul.f32 $7.000000000e+00, v2;
	v29 =	vmul.f32 v15, v0  }
0x6b: {  	v1 =	vmul.f32 $7.000000000e+00, v1;
	v14 =	vmul.f32 $5.120000000e+02, v14  }
0x6c: {  	v13 =	vmul.f32 $5.120000000e+02, v13;
	v40 =	vmul.f32 $5.120000000e+02, v7;
	v16 =	vadd.f32 $5.000000000e-01, v29  }
0x6d: {  	v53 =	vmul.f32 $5.120000000e+02, v11;
	v18 =	vmul.f32 v14, v0  }
0x6e: {  	v63 =	vmul.f32 $5.120000000e+02, v10;
	v3 =	vmul.f32 $5.120000000e+02, v3;
	v16 =	vmax.f32 v16, $0.0e+00  }
0x6f: {  	v2 =	vmul.f32 $5.120000000e+02, v2;
	v18 =	vadd.f32 $5.000000000e-01, v18;
	v16 =	vmin.f32 v16, $5.110000000e+02  }
0x70: {  	v23 =	vmul.f32 v13, v0;
	v16 =	vtrunc.f32 v16  }
0x71: {  	v1 =	vmul.f32 $5.120000000e+02, v1;
	v18 =	vmax.f32 v18, $0.0e+00;
	v16 =	vcvt.f32.s32 v16  }
0x72: {  	v43 =	vmul.f32 v40, v0;
	v35 =	vadd.f32 $5.000000000e-01, v23;
	v18 =	vmin.f32 v18, $5.110000000e+02  }
0x73: {  	v18 =	vtrunc.f32 v18;
	v17 =	vadd.s32 $0xFFFFFFFF, v16;
	v19 =	vadd.s32 $0x1, v16  }
0x74: {  	v18 =	vcvt.f32.s32 v18;
	vm0 =	vgt.s32 v17, $0x0;
	vm10 =	vlt.s32 v19, $0x1FF  }
0x75: {  	v21 =	vcvt.s32.f32 v16;
	v17 =	vnsel vm0, $0x0, v17;
	v19 =	vnsel vm10, $0x1FF, v19  }
0x76: {  	v20 =	vcvt.s32.f32 v17;
	v22 =	vcvt.s32.f32 v19  }
0x77: {  	v57 =	vmul.f32 v53, v0;
	v37 =	vmax.f32 v35, $0.0e+00;
	v21 =	vmul.f32 $7.000000000e+00, v21  }
0x78: {  	v30 =	vadd.s32 $0xFFFFFFFF, v18;
	v20 =	vmul.f32 $7.000000000e+00, v20;
	v22 =	vmul.f32 $7.000000000e+00, v22  }
0x79: {  	v33 =	vadd.s32 $0x1, v18;
	vm11 =	vgt.s32 v30, $0x0;
	v21 =	vsub.f32 v15, v21  }
0x7a: {  	v20 =	vsub.f32 v15, v20;
	v15 =	vsub.f32 v15, v22;
	v22 =	vnsel vm11, $0x0, v30  }
0x7b: {  	v32 =	vcvt.s32.f32 v18;
	vm14 =	vlt.s32 v33, $0x1FF;
	v31 =	vcvt.s32.f32 v22  }
0x7c: {  	v21 =	vand.u32 $0x7FFFFFFF, v21;
	v30 =	vmul.f32 v63, v0;
	v20 =	vand.u32 $0x7FFFFFFF, v20  }
0x7d: {  	v15 =	vand.u32 $0x7FFFFFFF, v15;
	vm12 =	vlt.f32 v21, v20;
	v34 =	vmul.f32 $7.000000000e+00, v31  }
0x7e: {  	v20 =	vsel vm12, v21, v20;
	v16 =	vsel vm12, v16, v17;
	v17 =	vnsel vm14, $0x1FF, v33  }
0x7f: {  	vm13 =	vlt.f32 v15, v20;
	v15 =	vmul.f32 $7.000000000e+00, v32;
	v36 =	vsub.f32 v14, v34  }
0x80: {  	v20 =	vmin.f32 v37, $5.110000000e+02;
	v38 =	vcvt.s32.f32 v17;
	v32 =	vadd.f32 $5.000000000e-01, v30  }
0x81: {  	v16 =	vsel vm13, v19, v16;
	v20 =	vtrunc.f32 v20;
	v15 =	vsub.f32 v14, v15  }
0x82: {  	v19 =	vand.u32 $0x7FFFFFFF, v36;
	v20 =	vcvt.f32.s32 v20;
	v21 =	vmul.f32 $7.000000000e+00, v38  }
0x83: {  	v16 =	vcvt.s32.f32 v16;
	v36 =	vmul.f32 v6, v12;
	v15 =	vand.u32 $0x7FFFFFFF, v15  }
0x84: {  	v39 =	vadd.s32 $0xFFFFFFFF, v20;
	v41 =	vadd.s32 $0x1, v20;
	v14 =	vsub.f32 v14, v21  }
0x85: {  	v25 =	vcvt.s32.f32 v20;
	v7 =	vmul.f32 $7.000000000e+00, v16;
	vm15 =	vlt.f32 v15, v19  }
0x86: {  	vm4 =	vgt.s32 v39, $0x0;
	vm5 =	vlt.s32 v41, $0x1FF;
	v18 =	vsel vm15, v18, v22  }
0x87: {  	v15 =	vsel vm15, v15, v19;
	v42 =	vnsel vm4, $0x0, v39;
	v44 =	vnsel vm5, $0x1FF, v41  }
0x88: {  	v22 =	vadd.f32 $5.000000000e-01, v43;
	v46 =	vmul.f32 $7.000000000e+00, v25;
	v24 =	vcvt.s32.f32 v42  }
0x89: {  	v14 =	vand.u32 $0x7FFFFFFF, v14;
	v39 =	vmul.f32 $7.000000000e+00, v36;
	v26 =	vcvt.s32.f32 v44  }
0x8a: {  	v36 =	vmul.f32 $5.120000000e+02, v5;
	v22 =	vmax.f32 v22, $0.0e+00;
	v45 =	vmul.f32 $7.000000000e+00, v24  }
0x8b: {  	vm6 =	vlt.f32 v14, v15;
	v47 =	vmul.f32 $7.000000000e+00, v26;
	v49 =	vmin.f32 v22, $5.110000000e+02  }
0x8c: {  	v50 =	vsub.f32 v13, v46;
	v15 =	vtrunc.f32 v49;
	v48 =	vsub.f32 v13, v45  }
0x8d: {  	v17 =	vsel vm6, v17, v18;
	v13 =	vsub.f32 v13, v47;
	v15 =	vcvt.f32.s32 v15  }
0x8e: {  	v17 =	vcvt.s32.f32 v17;
	v16 =	vand.u32 $0x7FFFFFFF, v50;
	v14 =	vand.u32 $0x7FFFFFFF, v48  }
0x8f: {  	v13 =	vand.u32 $0x7FFFFFFF, v13;
	v51 =	vadd.s32 $0xFFFFFFFF, v15;
	v55 =	vadd.s32 $0x1, v15  }
0x90: {  	v56 =	vcvt.s32.f32 v15;
	vm7 =	vlt.f32 v16, v14;
	vm8 =	vgt.s32 v51, $0x0  }
0x91: {  	vm10 =	vlt.s32 v55, $0x1FF;
	v19 =	vsel vm7, v20, v42;
	v14 =	vsel vm7, v16, v14  }
0x92: {  	v52 =	vnsel vm8, $0x0, v51;
	v20 =	vadd.f32 $5.000000000e-01, v57;
	v16 =	vmax.f32 v32, $0.0e+00  }
0x93: {  	vm9 =	vlt.f32 v13, v14;
	v18 =	vcvt.s32.f32 v52;
	v14 =	vnsel vm10, $0x1FF, v55  }
0x94: {  	v16 =	vmin.f32 v16, $5.110000000e+02;
	v54 =	vsel vm9, v44, v19;
	v19 =	vmul.f32 $7.000000000e+00, v56  }
0x95: {  	v58 =	vcvt.s32.f32 v14;
	v16 =	vtrunc.f32 v16  }
0x96: {  	v20 =	vmax.f32 v20, $0.0e+00;
	v18 =	vmul.f32 $7.000000000e+00, v18;
	v59 =	vcvt.s32.f32 v54  }
0x97: {  	v20 =	vmin.f32 v20, $5.110000000e+02;
	v16 =	vcvt.f32.s32 v16;
	v61 =	vsub.f32 v40, v19  }
0x98: {  	v62 =	vmul.f32 $7.000000000e+00, v58;
	v20 =	vtrunc.f32 v20;
	v60 =	vsub.f32 v40, v18  }
0x99: {  	v20 =	vcvt.f32.s32 v20;
	v10 =	vmul.f32 $7.000000000e+00, v59;
	v41 =	vadd.s32 $0xFFFFFFFF, v16  }
0x9a: {  	v45 =	vadd.s32 $0x1, v16;
	v46 =	vcvt.s32.f32 v16;
	v18 =	vand.u32 $0x7FFFFFFF, v61  }
0x9b: {  	v19 =	vsub.f32 v40, v62;
	vm14 =	vgt.s32 v41, $0x0;
	v61 =	vmul.f32 $7.000000000e+00, v8  }
0x9c: {  	v11 =	vand.u32 $0x7FFFFFFF, v60;
	v29 =	vadd.s32 $0xFFFFFFFF, v20;
	v33 =	vadd.s32 $0x1, v20  }
0x9d: {  	v35 =	vcvt.s32.f32 v20;
	v42 =	vnsel vm14, $0x0, v41;
	v24 =	vmul.f32 $7.000000000e+00, v46  }
0x9e: {  	vm11 =	vlt.f32 v18, v11;
	v28 =	vand.u32 $0x7FFFFFFF, v19;
	vm12 =	vgt.s32 v29, $0x0  }
0x9f: {  	vm13 =	vlt.s32 v33, $0x1FF;
	v15 =	vsel vm11, v15, v52;
	v11 =	vsel vm11, v18, v11  }
0xa0: {  	v31 =	vnsel vm12, $0x0, v29;
	v19 =	vmul.f32 $7.000000000e+00, v35;
	vm0 =	vlt.f32 v28, v11  }
0xa1: {  	v11 =	vmul.f32 $7.000000000e+00, v17;
	v34 =	vcvt.s32.f32 v31;
	v17 =	vnsel vm13, $0x1FF, v33  }
0xa2: {  	v46 =	vmul.f32 $5.120000000e+02, v4;
	v14 =	vsel vm0, v14, v15;
	v37 =	vcvt.s32.f32 v17  }
0xa3: {  	v38 =	vsub.f32 v53, v19;
	v19 =	vmul.f32 $5.120000000e+02, v39;
	v18 =	vmul.f32 $7.000000000e+00, v34  }
0xa4: {  	vm4 =	vlt.s32 v45, $0x1FF;
	v43 =	vcvt.s32.f32 v42;
	v14 =	vcvt.s32.f32 v14  }
0xa5: {  	v40 =	vmul.f32 $7.000000000e+00, v37;
	v44 =	vmul.f32 v19, v0;
	v18 =	vsub.f32 v53, v18  }
0xa6: {  	v49 =	vsub.f32 v63, v24;
	v12 =	vmul.f32 $7.000000000e+00, v14;
	v14 =	vand.u32 $0x7FFFFFFF, v38  }
0xa7: {  	v13 =	vsub.f32 v53, v40;
	v23 =	vadd.f32 $5.000000000e-01, v44;
	v18 =	vand.u32 $0x7FFFFFFF, v18  }
0xa8: {  	v38 =	vmul.f32 v36, v0;
	v53 =	vmul.f32 $5.120000000e+02, v9;
	vm15 =	vlt.f32 v14, v18  }
0xa9: {  	v13 =	vand.u32 $0x7FFFFFFF, v13;
	v48 =	vmax.f32 v23, $0.0e+00;
	v15 =	vsel vm15, v20, v31  }
0xaa: {  	v14 =	vsel vm15, v14, v18;
	v20 =	vmul.f32 $7.000000000e+00, v43;
	v18 =	vnsel vm4, $0x1FF, v45  }
0xab: {  	vm5 =	vlt.f32 v13, v14;
	v50 =	vcvt.s32.f32 v18;
	v14 =	vmin.f32 v48, $5.110000000e+02  }
0xac: {  	v58 =	vmul.f32 v53, v0;
	v47 =	vsub.f32 v63, v20;
	v14 =	vtrunc.f32 v14  }
0xad: {  	v20 =	vand.u32 $0x7FFFFFFF, v49;
	v15 =	vsel vm5, v17, v15;
	v23 =	vmul.f32 $7.000000000e+00, v50  }
0xae: {  	v14 =	vcvt.f32.s32 v14;
	v54 =	vcvt.s32.f32 v15;
	v13 =	vand.u32 $0x7FFFFFFF, v47  }
0xaf: {  	v48 =	vmul.f32 v46, v0;
	v15 =	vadd.f32 $5.000000000e-01, v58;
	vm6 =	vlt.f32 v20, v13  }
0xb0: {  	v51 =	vsub.f32 v63, v23;
	v52 =	vadd.s32 $0xFFFFFFFF, v14;
	v9 =	vmul.f32 $7.000000000e+00, v54  }
0xb1: {  	v59 =	vcvt.s32.f32 v14;
	v60 =	vadd.s32 $0x1, v14;
	v15 =	vmax.f32 v15, $0.0e+00  }
0xb2: {  	v63 =	vmul.f32 $5.120000000e+02, v61;
	v23 =	vadd.f32 $5.000000000e-01, v38;
	v61 =	vmul.f32 v3, v0  }
0xb3: {  	v16 =	vsel vm6, v16, v42;
	v13 =	vsel vm6, v20, v13;
	vm7 =	vgt.s32 v52, $0x0  }
0xb4: {  	vm9 =	vlt.s32 v60, $0x1FF;
	v15 =	vmin.f32 v15, $5.110000000e+02;
	v55 =	vand.u32 $0x7FFFFFFF, v51  }
0xb5: {  	v56 =	vnsel vm7, $0x0, v52;
	v21 =	vnsel vm9, $0x1FF, v60;
	v15 =	vtrunc.f32 v15  }
0xb6: {  	v28 =	vmul.f32 v63, v0;
	v23 =	vmax.f32 v23, $0.0e+00;
	v57 =	vcvt.s32.f32 v56  }
0xb7: {  	vm8 =	vlt.f32 v55, v13;
	v62 =	vcvt.s32.f32 v21;
	v15 =	vcvt.f32.s32 v15  }
0xb8: {  	v23 =	vmin.f32 v23, $5.110000000e+02;
	v16 =	vsel vm8, v18, v16;
	v18 =	vmul.f32 $7.000000000e+00, v59  }
0xb9: {  	v44 =	vtrunc.f32 v23;
	v13 =	vmul.f32 $7.000000000e+00, v57  }
0xba: {  	v16 =	vcvt.s32.f32 v16;
	v26 =	vmul.f32 $7.000000000e+00, v62  }
0xbb: {  	v27 =	vadd.s32 $0xFFFFFFFF, v15;
	v29 =	vadd.s32 $0x1, v15;
	v31 =	vcvt.s32.f32 v15  }
0xbc: {  	v18 =	vsub.f32 v19, v18;
	vm11 =	vgt.s32 v27, $0x0;
	vm12 =	vlt.s32 v29, $0x1FF  }
0xbd: {  	v13 =	vsub.f32 v19, v13;
	v8 =	vmul.f32 $7.000000000e+00, v16;
	v19 =	vsub.f32 v19, v26  }
0xbe: {  	v17 =	vnsel vm11, $0x0, v27;
	v22 =	vnsel vm12, $0x1FF, v29;
	v33 =	vmul.f32 $7.000000000e+00, v31  }
0xbf: {  	v18 =	vand.u32 $0x7FFFFFFF, v18;
	v30 =	vcvt.s32.f32 v17;
	v13 =	vand.u32 $0x7FFFFFFF, v13  }
0xc0: {  	v31 =	vmul.f32 v2, v0;
	v19 =	vand.u32 $0x7FFFFFFF, v19;
	vm10 =	vlt.f32 v18, v13  }
0xc1: {  	v32 =	vmul.f32 $7.000000000e+00, v30;
	v13 =	vsel vm10, v18, v13;
	v18 =	vadd.f32 $5.000000000e-01, v28  }
0xc2: {  	v34 =	vcvt.s32.f32 v22;
	v14 =	vsel vm10, v14, v56;
	vm13 =	vlt.f32 v19, v13  }
0xc3: {  	v13 =	vsub.f32 v53, v32;
	v19 =	vsub.f32 v53, v33;
	v18 =	vmax.f32 v18, $0.0e+00  }
0xc4: {  	v14 =	vsel vm13, v21, v14;
	v21 =	vmul.f32 $7.000000000e+00, v34;
	v18 =	vmin.f32 v18, $5.110000000e+02  }
0xc5: {  	v14 =	vcvt.s32.f32 v14;
	v13 =	vand.u32 $0x7FFFFFFF, v13;
	v19 =	vand.u32 $0x7FFFFFFF, v19  }
0xc6: {  	v18 =	vtrunc.f32 v18;
	v20 =	vsub.f32 v53, v21;
	vm15 =	vlt.f32 v19, v13  }
0xc7: {  	v18 =	vcvt.f32.s32 v18;
	v5 =	vmul.f32 $7.000000000e+00, v14;
	v15 =	vsel vm15, v15, v17  }
0xc8: {  	v13 =	vsel vm15, v19, v13;
	v14 =	vcvt.f32.s32 v44;
	v39 =	vand.u32 $0x7FFFFFFF, v20  }
0xc9: {  	v35 =	vadd.s32 $0xFFFFFFFF, v18;
	v40 =	vadd.s32 $0x1, v18;
	v42 =	vcvt.s32.f32 v18  }
0xca: {  	vm5 =	vlt.f32 v39, v13;
	v45 =	vadd.s32 $0xFFFFFFFF, v14;
	v50 =	vadd.s32 $0x1, v14  }
0xcb: {  	v52 =	vcvt.s32.f32 v14;
	vm14 =	vgt.s32 v35, $0x0;
	vm4 =	vlt.s32 v40, $0x1FF  }
0xcc: {  	v15 =	vsel vm5, v22, v15;
	vm6 =	vgt.s32 v45, $0x0;
	v22 =	vadd.f32 $5.000000000e-01, v48  }
0xcd: {  	vm8 =	vlt.s32 v50, $0x1FF;
	v37 =	vnsel vm14, $0x0, v35;
	v19 =	vmul.f32 $7.000000000e+00, v42  }
0xce: {  	v17 =	vnsel vm4, $0x1FF, v40;
	v4 =	vcvt.s32.f32 v15;
	v40 =	vmul.f32 v1, v0  }
0xcf: {  	v47 =	vnsel vm6, $0x0, v45;
	v41 =	vcvt.s32.f32 v37;
	v43 =	vcvt.s32.f32 v17  }
0xd0: {  	v51 =	vcvt.s32.f32 v47;
	v22 =	vmax.f32 v22, $0.0e+00;
	v19 =	vsub.f32 v63, v19  }
0xd1: {  	v22 =	vmin.f32 v22, $5.110000000e+02;
	v42 =	vadd.f32 $5.000000000e-01, v40;
	v20 =	vmul.f32 $7.000000000e+00, v41  }
0xd2: {  	v13 =	vmul.f32 $7.000000000e+00, v43;
	v54 =	vtrunc.f32 v22;
	v22 =	vadd.f32 $5.000000000e-01, v61  }
0xd3: {  	v4 =	vmul.f32 $7.000000000e+00, v4;
	v21 =	vmul.f32 $7.000000000e+00, v51;
	v20 =	vsub.f32 v63, v20  }
0xd4: {  	v13 =	vsub.f32 v63, v13;
	v25 =	vmax.f32 v22, $0.0e+00;
	v22 =	vadd.f32 $5.000000000e-01, v31  }
0xd5: {  	v19 =	vand.u32 $0x7FFFFFFF, v19;
	v55 =	vsub.f32 v36, v21;
	v20 =	vand.u32 $0x7FFFFFFF, v20  }
0xd6: {  	v13 =	vand.u32 $0x7FFFFFFF, v13;
	v22 =	vmax.f32 v22, $0.0e+00;
	vm7 =	vlt.f32 v19, v20  }
0xd7: {  	v22 =	vmin.f32 v22, $5.110000000e+02;
	v49 =	vsel vm7, v18, v37;
	v19 =	vsel vm7, v19, v20  }
0xd8: {  	v18 =	vnsel vm8, $0x1FF, v50;
	v20 =	vmul.f32 $7.000000000e+00, v52;
	v37 =	vtrunc.f32 v22  }
0xd9: {  	v53 =	vcvt.s32.f32 v18;
	vm9 =	vlt.f32 v13, v19;
	v13 =	vcvt.f32.s32 v54  }
0xda: {  	v19 =	vand.u32 $0x7FFFFFFF, v55;
	v6 =	vcvt.f32.s32 v37;
	v15 =	vsel vm9, v17, v49  }
0xdb: {  	v57 =	vsub.f32 v36, v20;
	v56 =	vmul.f32 $7.000000000e+00, v53;
	v59 =	vadd.s32 $0xFFFFFFFF, v13  }
0xdc: {  	v62 =	vadd.s32 $0x1, v13;
	v63 =	vcvt.s32.f32 v13;
	v41 =	vadd.s32 $0xFFFFFFFF, v6  }
0xdd: {  	v17 =	vand.u32 $0x7FFFFFFF, v57;
	vm10 =	vgt.s32 v59, $0x0;
	vm12 =	vlt.s32 v62, $0x1FF  }
0xde: {  	vm6 =	vgt.s32 v41, $0x0;
	v58 =	vsub.f32 v36, v56;
	v21 =	vnsel vm10, $0x0, v59  }
0xdf: {  	vm11 =	vlt.f32 v17, v19;
	v24 =	vmul.f32 $7.000000000e+00, v63;
	v60 =	vcvt.s32.f32 v21  }
0xe0: {  	v14 =	vsel vm11, v14, v47;
	v17 =	vsel vm11, v17, v19;
	v20 =	vand.u32 $0x7FFFFFFF, v58  }
0xe1: {  	v16 =	vmul.f32 $7.000000000e+00, v60;
	vm13 =	vlt.f32 v20, v17;
	v20 =	vmin.f32 v25, $5.110000000e+02  }
0xe2: {  	v19 =	vnsel vm12, $0x1FF, v62;
	v17 =	vsub.f32 v46, v24;
	v27 =	vtrunc.f32 v20  }
0xe3: {  	v14 =	vsel vm13, v18, v14;
	v16 =	vsub.f32 v46, v16;
	v18 =	vcvt.f32.s32 v27  }
0xe4: {  	v15 =	vcvt.s32.f32 v15;
	v43 =	vnsel vm6, $0x0, v41;
	v26 =	vcvt.s32.f32 v19  }
0xe5: {  	v17 =	vand.u32 $0x7FFFFFFF, v17;
	v16 =	vand.u32 $0x7FFFFFFF, v16;
	v29 =	vadd.s32 $0xFFFFFFFF, v18  }
0xe6: {  	v45 =	vcvt.s32.f32 v43;
	vm14 =	vlt.f32 v17, v16;
	vm15 =	vgt.s32 v29, $0x0  }
0xe7: {  	v28 =	vmul.f32 $7.000000000e+00, v26;
	v16 =	vsel vm14, v17, v16;
	v17 =	vnsel vm15, $0x0, v29  }
0xe8: {  	v30 =	vadd.s32 $0x1, v18;
	v35 =	vcvt.s32.f32 v18;
	v32 =	vcvt.s32.f32 v17  }
0xe9: {  	v20 =	vsub.f32 v46, v28;
	vm4 =	vlt.s32 v30, $0x1FF;
	v13 =	vsel vm14, v13, v21  }
0xea: {  	v34 =	vnsel vm4, $0x1FF, v30;
	v21 =	vmul.f32 $7.000000000e+00, v35;
	v23 =	vmul.f32 $7.000000000e+00, v32  }
0xeb: {  	v44 =	vmax.f32 v42, $0.0e+00;
	v47 =	vcvt.s32.f32 v6;
	v36 =	vcvt.s32.f32 v34  }
0xec: {  	v33 =	vand.u32 $0x7FFFFFFF, v20;
	v21 =	vsub.f32 v3, v21;
	v38 =	vsub.f32 v3, v23  }
0xed: {  	v46 =	vadd.s32 $0x1, v6;
	vm5 =	vlt.f32 v33, v16;
	v39 =	vmul.f32 $7.000000000e+00, v36  }
0xee: {  	v13 =	vsel vm5, v19, v13;
	v21 =	vand.u32 $0x7FFFFFFF, v21;
	v16 =	vand.u32 $0x7FFFFFFF, v38  }
0xef: {  	v19 =	vmul.f32 $7.000000000e+00, v45;
	v3 =	vsub.f32 v3, v39;
	vm7 =	vlt.f32 v21, v16  }
0xf0: {  	vm8 =	vlt.s32 v46, $0x1FF;
	v17 =	vsel vm7, v18, v17;
	v18 =	vmin.f32 v44, $5.110000000e+02  }
0xf1: {  	v48 =	vsub.f32 v2, v19;
	v3 =	vand.u32 $0x7FFFFFFF, v3;
	v18 =	vtrunc.f32 v18  }
0xf2: {  	v16 =	vsel vm7, v21, v16;
	v21 =	vnsel vm8, $0x1FF, v46;
	v18 =	vcvt.f32.s32 v18  }
0xf3: {  	vm9 =	vlt.f32 v3, v16;
	v3 =	vmul.f32 $7.000000000e+00, v47;
	v49 =	vcvt.s32.f32 v21  }
0xf4: {  	v57 =	vmul.f32 $7.000000000e+00, v15;
	v16 =	vand.u32 $0x7FFFFFFF, v48;
	v50 =	vadd.s32 $0xFFFFFFFF, v18  }
0xf5: {  	v3 =	vsub.f32 v2, v3;
	v19 =	vmul.f32 $7.000000000e+00, v49;
	vm10 =	vgt.s32 v50, $0x0  }
0xf6: {  	v52 =	vadd.s32 $0x1, v18;
	v54 =	vcvt.s32.f32 v18;
	v51 =	vnsel vm10, $0x0, v50  }
0xf7: {  	v3 =	vand.u32 $0x7FFFFFFF, v3;
	vm11 =	vlt.s32 v52, $0x1FF;
	v53 =	vcvt.s32.f32 v51  }
0xf8: {  	v2 =	vsub.f32 v2, v19;
	v23 =	vnsel vm11, $0x1FF, v52;
	v55 =	vmul.f32 $7.000000000e+00, v54  }
0xf9: {  	[tilespmem:$0x100] =	vst v7;
	vm12 =	vlt.f32 v3, v16;
	v56 =	vcvt.s32.f32 v23;
	v24 =	vmul.f32 $7.000000000e+00, v53  }
0xfa: {  	[tilespmem:$0x120] =	vst v10;
	v60 =	vcvt.s32.f32 v14;
	v3 =	vsel vm12, v3, v16;
	v2 =	vand.u32 $0x7FFFFFFF, v2  }
0xfb: {  	[tilespmem:$0x110] =	vst v11;
	v7 =	vsub.f32 v1, v55;
	v59 =	vmul.f32 $7.000000000e+00, v56;
	v58 =	vsub.f32 v1, v24  }
0xfc: {  	[tilespmem:$0x130] =	vst v12;
	v61 =	vmul.f32 $7.000000000e+00, v60;
	v62 =	vcvt.s32.f32 v13;
	vm13 =	vlt.f32 v2, v3  }
0xfd: {  	[tilespmem:$0x140] =	vst v9;
	v3 =	vand.u32 $0x7FFFFFFF, v7;
	v1 =	vsub.f32 v1, v59;
	v2 =	vand.u32 $0x7FFFFFFF, v58  }
0xfe: {  	[tilespmem:$0x150] =	vst v8;
	v17 =	vsel vm9, v34, v17;
	v6 =	vsel vm12, v6, v43;
	vm14 =	vlt.f32 v3, v2  }
0xff: {  	[tilespmem:$0x160] =	vst v5;
	v6 =	vsel vm13, v21, v6;
	v1 =	vand.u32 $0x7FFFFFFF, v1;
	v2 =	vsel vm14, v3, v2  }
0x100: {  	[tilespmem:$0x170] =	vst v4;
	v3 =	vcvt.s32.f32 v17;
	v63 =	vsel vm14, v18, v51;
	vm15 =	vlt.f32 v1, v2  }
0x101: {  	[tilespmem:$0x180] =	vst v57;
	v1 =	vmul.f32 $7.000000000e+00, v62;
	v2 =	vcvt.s32.f32 v6;
	v4 =	vsel vm15, v23, v63  }
0x102: {  	[tilespmem:$0x190] =	vst v61;
	v3 =	vmul.f32 $7.000000000e+00, v3;
	v4 =	vcvt.s32.f32 v4  }
0x103: {  	[tilespmem:$0x1A0] =	vst v1;
	v1 =	vmul.f32 $7.000000000e+00, v2  }
0x104: {  	[tilespmem:$0x1B0] =	vst v3;
	v2 =	vmul.f32 $7.000000000e+00, v4  }
0x105: {  	p0 =	sne.s32 s2, $0x1;
	s30 =	rddreg [dreg:$0x4];
	[tilespmem:$0x1C0] =	vst v1  }
.Ltmp1:
0x106: {  	s31 =	rddreg [dreg:$0x5];
	[tilespmem:$0x1D0] =	vst v2;
	(pc) =	sbr.rel @p0 .LBB2_2-.Ltmp1, $4  }
0x107: {  	[hbm4b:s30+s3] =	stream.linear.scatter [tilespmem:s31], [sflag:$0x1], $0x100, $0x38;
	[tilespmem:$0x200] =	vst v63  }
0x108: {  	_ =	swait.ge [sflag:s4], $0x100  }
0x109: {  	[sflag:s4] =	ssyncset.done $0x0  }
0x10a: {  	s2 =	sadd.s32 $0xFFFFFFFF, s2;
	[sflag:s4] =	ssyncadd.s32 $0xFFFFFF00  }
.LBB2_3:
0x10b: {  	_ =	sfence.sel $0x180000  }
0x10c: {  	[bflag:$0x0] =	sbarrier.arrive $0xFFFF  }
0x10d: {  	p0 =	sne.s32 s1, $0x0;
	_ =	strace $0x90000047  }
0x10e: {  	s0 =	sadd.s32 @!p0 $0x100000, s0;
	[bflag:$0x2] =	sbarrier.arrive $0xFFFF  }
0x10f: {  	[sflag:s0] =	ssyncadd.tile.s32 @!p0 $0x1;
	_ =	shalt  }
.Lfunc_end2:
_tile_overlayer_lowered:
.L_overlay_start_2:
0x110: {  	(tag) =	ssettag $0x2  }
0x111: {  	s0 =	rddreg [dreg:$0x0];
	s2 =	stileid.u32  }
0x112: {  	s1 =	rddreg [dreg:$0x1];
	p0 =	sne.s32 s2, $0x0  }
0x113: {  	s3 =	rddreg [dreg:$0x2];
	[bflag:$0x3] =	sbarrier.arrive $0xFFFF;
	s2 =	simm.s32 @!p0 $0x1C01  }
0x114: {  	[timem:s3], [sflag:s2] =	dma.local @!p0 [hbm:s0], s1  }
0x115: {  	s0 =	simm.s32 @!p0 $0x1  }
0x116: {  	_ =	swait.ge @!p0 [sflag:s0], s1  }
0x117: {  	s1 =	ssub.s32 @!p0 $0x0, s1;
	[sflag:s0] =	ssyncset.done @!p0 $0x0  }
0x118: {  	[sflag:s0] =	ssyncadd.s32 @!p0 s1  }
0x119: {  	[bflag:$0x3] =	sbarrier.arrive $0xFFFF  }
0x11a: {  	_ =	shalt  }

</sc_bundles>
